<compile_context>
chip_gen: v7x
topology: tpu7x:2x2x1
jax: 0.10.2.dev20260603
libtpu: 0.0.44.dev20260713+nightly
codegen_flags: <defaults>
</compile_context>

<pallas_src>
import functools

import jax
import jax.numpy as jnp
from jax import lax
from jax.experimental import pallas as pl
from jax.experimental.pallas import tpu as pltpu
from jax.experimental.pallas import tpu_sc as plsc

N = 2048
D = 512
E = 32768
H = 8
DK = 64
BM = 256

_SCALE = 1.0 / float(DK) ** 0.5

_NW = 32
_RP = 32
_NP = N // (_NW * _RP)

_PREC = lax.Precision.DEFAULT


def _em_body(pairs_hbm, zeros_hbm, em_hbm, pbuf, buf):
    wid = lax.axis_index("s") * 2 + lax.axis_index("c")
    pltpu.sync_copy(pairs_hbm, pbuf)
    ones16 = jnp.ones((16,), jnp.float32)
    for p in range(_NP):
        base = p * (_NW * _RP) + wid * _RP
        base_flat = base * N
        pltpu.sync_copy(zeros_hbm, buf)

        @plsc.parallel_loop(0, E // 16, unroll=8)
        def _scat(i):
            w = pbuf[pl.ds(i * 16, 16)]
            s = w & 0xFFFF
            o = lax.shift_right_logical(w, 16)
            lidx = (lax.shift_left(s, 11) | o) - base_flat
            m = (lidx >= 0) & (lidx < _RP * N)
            plsc.store_scatter(buf, [lidx], ones16, mask=m)

        start = pl.multiple_of(base_flat, _RP * N)
        pltpu.sync_copy(buf, em_hbm.at[pl.ds(start, _RP * N)])


@functools.cache
def _edge_mask_kernel():
    return pl.kernel(
        _em_body,
        out_type=jax.ShapeDtypeStruct((N * N,), jnp.float32),
        mesh=plsc.VectorSubcoreMesh(core_axis_name="c", subcore_axis_name="s"),
        compiler_params=pltpu.CompilerParams(needs_layout_passes=False),
        scratch_types=[
            pltpu.VMEM((E,), jnp.int32),
            pltpu.VMEM((_RP * N,), jnp.float32),
        ],
    )


def _proj_body(x_ref, wq_ref, bq_ref, wk_ref, bk_ref, q_ref, k_ref):
    x = x_ref[...]
    for h in range(H):
        wq_h = wq_ref[pl.ds(h * DK, DK), :]
        wk_h = wk_ref[pl.ds(h * DK, DK), :]
        dn = (((1,), (1,)), ((), ()))
        q_ref[h] = (
            lax.dot_general(x, wq_h, dn, precision=_PREC,
                            preferred_element_type=jnp.float32)
            + bq_ref[h]
        )
        k_ref[h] = (
            lax.dot_general(x, wk_h, dn, precision=_PREC,
                            preferred_element_type=jnp.float32)
            + bk_ref[h]
        )


def _project(x, wq, bq, wk, bk):
    return pl.pallas_call(
        _proj_body,
        grid=(N // BM,),
        in_specs=[
            pl.BlockSpec((BM, D), lambda i: (i, 0)),
            pl.BlockSpec((D, D), lambda i: (0, 0)),
            pl.BlockSpec((H, 1, DK), lambda i: (0, 0, 0)),
            pl.BlockSpec((D, D), lambda i: (0, 0)),
            pl.BlockSpec((H, 1, DK), lambda i: (0, 0, 0)),
        ],
        out_specs=[
            pl.BlockSpec((H, BM, DK), lambda i: (0, i, 0)),
            pl.BlockSpec((H, BM, DK), lambda i: (0, i, 0)),
        ],
        out_shape=[
            jax.ShapeDtypeStruct((H, N, DK), jnp.float32),
            jax.ShapeDtypeStruct((H, N, DK), jnp.float32),
        ],
    )(x, wq, bq.reshape(H, 1, DK), wk, bk.reshape(H, 1, DK))


def _attn_body(q_ref, k_ref, em_ref, agg_ref, x_ref, o_ref):
    bi = pl.program_id(0)
    em = em_ref[...]
    agg = agg_ref[...]
    rows = lax.broadcasted_iota(jnp.int32, (BM, N), 0) + bi * BM
    cols = lax.broadcasted_iota(jnp.int32, (BM, N), 1)
    diag = rows == cols
    emz = jnp.where(diag, jnp.float32(0.0), em * jnp.float32(_SCALE))
    dadd = jnp.where(diag, jnp.float32(1e-07),
                     jnp.where(agg == 1.0, jnp.float32(0.0),
                               jnp.float32(-jnp.inf)))
    dn = (((1,), (1,)), ((), ()))
    facc = jnp.zeros((BM, N), jnp.float32)
    for h in range(H):
        s = lax.dot_general(q_ref[h], k_ref[h], dn, precision=_PREC,
                            preferred_element_type=jnp.float32)
        p = jnp.exp(s * emz + dadd)
        z = jnp.sum(p, axis=1, keepdims=True)
        facc = facc + p * (jnp.float32(1.0) / z)
    o_ref[...] = lax.dot_general(
        facc, x_ref[...], (((1,), (0,)), ((), ())), precision=_PREC,
        preferred_element_type=jnp.float32) * jnp.float32(1.0 / H)


def _attend(q, k, em, agg, x):
    return pl.pallas_call(
        _attn_body,
        grid=(N // BM,),
        in_specs=[
            pl.BlockSpec((H, BM, DK), lambda i: (0, i, 0)),
            pl.BlockSpec((H, N, DK), lambda i: (0, 0, 0)),
            pl.BlockSpec((BM, N), lambda i: (i, 0)),
            pl.BlockSpec((BM, N), lambda i: (i, 0)),
            pl.BlockSpec((N, D), lambda i: (0, 0)),
        ],
        out_specs=pl.BlockSpec((BM, D), lambda i: (i, 0)),
        out_shape=jax.ShapeDtypeStruct((N, D), jnp.float32),
    )(q, k, em, agg, x)


def kernel(inst_feature, aggregator_matrix, rel_pair_index, Wq, bq, Wk, bk):
    pairs = lax.bitcast_convert_type(
        rel_pair_index.astype(jnp.int16), jnp.int32)
    em = _edge_mask_kernel()(
        pairs, jnp.zeros((_RP * N,), jnp.float32)
    ).reshape(N, N)
    q, k = _project(inst_feature, Wq, bq, Wk, bk)
    return _attend(q, k, em, aggregator_matrix, inst_feature)

# --- scband reference (transcript-rebuilt; emitter-appended) ---
"""Pipeline reference for scband-falayer-20521353740421 (READ-ONLY COPY).

The authoritative reference and input builder live on the scoring server;
editing this copy changes nothing except your own understanding.
"""

import jax, jax.numpy as jnp
import numpy as np

N = 2048
D = 512
E = 32768
H = 8
DK = D // H


def setup_inputs(seed: int = 0) -> dict:
    key = jax.random.key(seed)
    k1, k2, k3, k4, k5, k6, k7 = jax.random.split(key, 7)
    inst_feature = jax.random.normal(k1, (N, D), dtype=jnp.float32)
    aggregator_matrix = jax.random.randint(k2, (N, N), 0, 2).astype(jnp.float32)
    rel_pair_index = jax.random.randint(k3, (E, 2), 0, N, dtype=jnp.int64)
    std = np.sqrt(2.0 / (D + DK))
    Wq = jax.random.normal(k4, (D, D), dtype=jnp.float32) * std
    bq = jnp.zeros((D,), dtype=jnp.float32)
    Wk = jax.random.normal(k5, (D, D), dtype=jnp.float32) * std
    bk = jnp.zeros((D,), dtype=jnp.float32)
    return {"inst_feature": inst_feature, "aggregator_matrix": aggregator_matrix,
            "rel_pair_index": rel_pair_index, "Wq": Wq, "bq": bq, "Wk": Wk, "bk": bk}


def reference(inst_feature, aggregator_matrix, rel_pair_index, Wq, bq, Wk, bk):
    n, d = inst_feature.shape
    sub_idx = rel_pair_index[:, 0]
    obj_idx = rel_pair_index[:, 1]
    sub_f = jnp.take(inst_feature, sub_idx, axis=0)
    obj_f = jnp.take(inst_feature, obj_idx, axis=0)
    length = sub_f.shape[0]
    q = (sub_f @ Wq.T + bq).reshape(length, H, DK).transpose(1, 0, 2)
    k = (obj_f @ Wk.T + bk).reshape(length, H, DK).transpose(1, 0, 2)
    attention_map = (q * k).sum(-1) / np.power(DK, 0.5)
    aggregator_factor = jnp.zeros((H, n, n), dtype=inst_feature.dtype)
    aggregator_factor = aggregator_factor.at[:, sub_idx, obj_idx].set(attention_map)
    mask = ((1.0 - aggregator_matrix) != 0)
    aggregator_factor = jnp.where(mask[None, :, :], -jnp.inf, aggregator_factor)
    eye = jnp.eye(n, dtype=bool)
    aggregator_factor = jnp.where(eye[None, :, :], jnp.float32(1e-07), aggregator_factor)
    aggregator_factor = jax.nn.softmax(aggregator_factor, axis=2)
    aggregator_factor = jnp.sum(aggregator_factor, axis=0) / H
    aggregator_feature = aggregator_factor @ inst_feature
    return aggregator_feature

if __name__ == "__main__":
    import jax
    _d = setup_inputs()
    print(jax.jit(kernel)(*tuple(_d.values())))

</pallas_src>

<mosaic_0001>
#map = affine_map<(d0, d1) -> (0)>
module attributes {stable_mosaic.version = 14 : i64} {
  func.func @_em_body(%arg0: i32, %arg1: i32, %arg2: memref<32768xi32, #tpu.memory_space<hbm>>, %arg3: memref<65536xf32, #tpu.memory_space<hbm>>, %arg4: memref<4194304xf32, #tpu.memory_space<hbm>>, %arg5: memref<32768xi32, #tpu.memory_space<vmem>>, %arg6: memref<65536xf32, #tpu.memory_space<vmem>>) attributes {dimension_semantics = [#tpu.dimension_semantics<core_parallel>, #tpu.dimension_semantics<subcore_parallel>], iteration_bounds = array<i64: 2, 16>, scalar_prefetch = 0 : i64, scratch_operands = 2 : i64, tpu.core_type = #tpu.core_type<sc_vector_subcore>, window_params = [{transform_indices = #map}, {transform_indices = #map}, {transform_indices = #map}]} {
    %mul3A = arith.constant 2 : i32
    %mul3A_0 = arith.muli %arg1, %mul3A : i32
    %add3A = arith.addi %mul3A_0, %arg0 : i32
    "tpu.region"() ({
      %run_scoped3A = tpu.sem_alloc : memref<!tpu.dma_semaphore, #tpu.memory_space<semaphore_mem>>
      tpu.enqueue_dma source(%arg2 : memref<32768xi32, #tpu.memory_space<hbm>>) target(%arg5 : memref<32768xi32, #tpu.memory_space<vmem>>) target_semaphore(%run_scoped3A : memref<!tpu.dma_semaphore, #tpu.memory_space<semaphore_mem>>)
      tpu.wait_dma2 semaphore(%run_scoped3A : memref<!tpu.dma_semaphore, #tpu.memory_space<semaphore_mem>>) src(%arg2 : memref<32768xi32, #tpu.memory_space<hbm>>) dst(%arg5 : memref<32768xi32, #tpu.memory_space<vmem>>)
      tpu.yield
    }) : () -> ()
    %broadcast_in_dim3A = arith.constant 1.000000e+00 : f32
    %broadcast_in_dim3A_1 = vector.broadcast %broadcast_in_dim3A : f32 to vector<16xf32>
    %mul3A_2 = arith.constant 32 : i32
    %mul3A_3 = arith.muli %add3A, %mul3A_2 : i32
    %add3A_4 = arith.constant 0 : i32
    %add3A_5 = arith.addi %add3A_4, %mul3A_3 : i32
    %mul3A_6 = arith.constant 2048 : i32
    %mul3A_7 = arith.muli %add3A_5, %mul3A_6 : i32
    "tpu.region"() ({
      %run_scoped3A = tpu.sem_alloc : memref<!tpu.dma_semaphore, #tpu.memory_space<semaphore_mem>>
      tpu.enqueue_dma source(%arg3 : memref<65536xf32, #tpu.memory_space<hbm>>) target(%arg6 : memref<65536xf32, #tpu.memory_space<vmem>>) target_semaphore(%run_scoped3A : memref<!tpu.dma_semaphore, #tpu.memory_space<semaphore_mem>>)
      tpu.wait_dma2 semaphore(%run_scoped3A : memref<!tpu.dma_semaphore, #tpu.memory_space<semaphore_mem>>) src(%arg3 : memref<65536xf32, #tpu.memory_space<hbm>>) dst(%arg6 : memref<65536xf32, #tpu.memory_space<vmem>>)
      tpu.yield
    }) : () -> ()
    %parallel_loop3A = arith.constant 0 : i32
    %parallel_loop3A_8 = arith.constant 2048 : i32
    %parallel_loop3A_9 = arith.constant 1 : i32
    scf.for %parallel_loop3A_20 = %parallel_loop3A to %parallel_loop3A_8 step %parallel_loop3A_9  : i32 {
      %parallel_loop3A_21 = arith.constant 16 : i32
      %parallel_loop3A_22 = arith.muli %parallel_loop3A_20, %parallel_loop3A_21 : i32
      %parallel_loop3A_23 = arith.index_cast %parallel_loop3A_22 : i32 to index
      %parallel_loop3A_24 = tpu.vector_load %arg5[%parallel_loop3A_23] {strides = array<i32>} : memref<32768xi32, #tpu.memory_space<vmem>>, vector<16xi32>,
      %parallel_loop3A_25 = arith.constant 65535 : i32
      %parallel_loop3A_26 = vector.broadcast %parallel_loop3A_25 : i32 to vector<16xi32>
      %parallel_loop3A_27 = arith.andi %parallel_loop3A_24, %parallel_loop3A_26 : vector<16xi32>
      %parallel_loop3A_28 = arith.constant 16 : i32
      %parallel_loop3A_29 = vector.broadcast %parallel_loop3A_28 : i32 to vector<16xi32>
      %parallel_loop3A_30 = arith.shrui %parallel_loop3A_24, %parallel_loop3A_29 : vector<16xi32>
      %parallel_loop3A_31 = arith.constant 11 : i32
      %parallel_loop3A_32 = vector.broadcast %parallel_loop3A_31 : i32 to vector<16xi32>
      %parallel_loop3A_33 = arith.shli %parallel_loop3A_27, %parallel_loop3A_32 : vector<16xi32>
      %parallel_loop3A_34 = arith.ori %parallel_loop3A_33, %parallel_loop3A_30 : vector<16xi32>
      %parallel_loop3A_35 = vector.broadcast %mul3A_7 : i32 to vector<16xi32>
      %parallel_loop3A_36 = arith.subi %parallel_loop3A_34, %parallel_loop3A_35 : vector<16xi32>
      %parallel_loop3A_37 = arith.constant 0 : i32
      %parallel_loop3A_38 = vector.broadcast %parallel_loop3A_37 : i32 to vector<16xi32>
      %parallel_loop3A_39 = arith.cmpi sge, %parallel_loop3A_36, %parallel_loop3A_38 : vector<16xi32>
      %parallel_loop3A_40 = arith.constant 65536 : i32
      %parallel_loop3A_41 = vector.broadcast %parallel_loop3A_40 : i32 to vector<16xi32>
      %parallel_loop3A_42 = arith.cmpi slt, %parallel_loop3A_36, %parallel_loop3A_41 : vector<16xi32>
      %parallel_loop3A_43 = arith.andi %parallel_loop3A_39, %parallel_loop3A_42 : vector<16xi1>
      tpu.vector_store_idx %arg6[%parallel_loop3A_36], %broadcast_in_dim3A_1 masked %parallel_loop3A_43 : memref<65536xf32, #tpu.memory_space<vmem>>[vector<16xi32>], vector<16xf32>, vector<16xi1>
    } {sc.loop_unroll_factor = 8 : i64, sc.parallel_access}
    %multiple_of3A = tpu.assume_multiple %mul3A_7, 65536 : i32
    "tpu.region"() ({
      %run_scoped3A = tpu.sem_alloc : memref<!tpu.dma_semaphore, #tpu.memory_space<semaphore_mem>>
      %dma_start3A = tpu.memref_slice %arg4[%multiple_of3A] : memref<4194304xf32, #tpu.memory_space<hbm>> -> memref<65536xf32, #tpu.memory_space<hbm>>
      %dma_start3A_20 = tpu.memref_slice %arg4[%multiple_of3A] : memref<4194304xf32, #tpu.memory_space<hbm>> -> memref<65536xf32, #tpu.memory_space<hbm>>
      tpu.enqueue_dma source(%arg6 : memref<65536xf32, #tpu.memory_space<vmem>>) target(%dma_start3A_20 : memref<65536xf32, #tpu.memory_space<hbm>>) target_semaphore(%run_scoped3A : memref<!tpu.dma_semaphore, #tpu.memory_space<semaphore_mem>>)
      %dma_wait3A = tpu.memref_slice %arg4[%multiple_of3A] : memref<4194304xf32, #tpu.memory_space<hbm>> -> memref<65536xf32, #tpu.memory_space<hbm>>
      %dma_wait3A_21 = tpu.memref_slice %arg4[%multiple_of3A] : memref<4194304xf32, #tpu.memory_space<hbm>> -> memref<65536xf32, #tpu.memory_space<hbm>>
      tpu.wait_dma2 semaphore(%run_scoped3A : memref<!tpu.dma_semaphore, #tpu.memory_space<semaphore_mem>>) src(%arg6 : memref<65536xf32, #tpu.memory_space<vmem>>) dst(%dma_wait3A_21 : memref<65536xf32, #tpu.memory_space<hbm>>)
      tpu.yield
    }) : () -> ()
    %mul3A_10 = arith.constant 32 : i32
    %mul3A_11 = arith.muli %add3A, %mul3A_10 : i32
    %add3A_12 = arith.constant 1024 : i32
    %add3A_13 = arith.addi %add3A_12, %mul3A_11 : i32
    %mul3A_14 = arith.constant 2048 : i32
    %mul3A_15 = arith.muli %add3A_13, %mul3A_14 : i32
    "tpu.region"() ({
      %run_scoped3A = tpu.sem_alloc : memref<!tpu.dma_semaphore, #tpu.memory_space<semaphore_mem>>
      tpu.enqueue_dma source(%arg3 : memref<65536xf32, #tpu.memory_space<hbm>>) target(%arg6 : memref<65536xf32, #tpu.memory_space<vmem>>) target_semaphore(%run_scoped3A : memref<!tpu.dma_semaphore, #tpu.memory_space<semaphore_mem>>)
      tpu.wait_dma2 semaphore(%run_scoped3A : memref<!tpu.dma_semaphore, #tpu.memory_space<semaphore_mem>>) src(%arg3 : memref<65536xf32, #tpu.memory_space<hbm>>) dst(%arg6 : memref<65536xf32, #tpu.memory_space<vmem>>)
      tpu.yield
    }) : () -> ()
    %parallel_loop3A_16 = arith.constant 0 : i32
    %parallel_loop3A_17 = arith.constant 2048 : i32
    %parallel_loop3A_18 = arith.constant 1 : i32
    scf.for %parallel_loop3A_20 = %parallel_loop3A_16 to %parallel_loop3A_17 step %parallel_loop3A_18  : i32 {
      %parallel_loop3A_21 = arith.constant 16 : i32
      %parallel_loop3A_22 = arith.muli %parallel_loop3A_20, %parallel_loop3A_21 : i32
      %parallel_loop3A_23 = arith.index_cast %parallel_loop3A_22 : i32 to index
      %parallel_loop3A_24 = tpu.vector_load %arg5[%parallel_loop3A_23] {strides = array<i32>} : memref<32768xi32, #tpu.memory_space<vmem>>, vector<16xi32>,
      %parallel_loop3A_25 = arith.constant 65535 : i32
      %parallel_loop3A_26 = vector.broadcast %parallel_loop3A_25 : i32 to vector<16xi32>
      %parallel_loop3A_27 = arith.andi %parallel_loop3A_24, %parallel_loop3A_26 : vector<16xi32>
      %parallel_loop3A_28 = arith.constant 16 : i32
      %parallel_loop3A_29 = vector.broadcast %parallel_loop3A_28 : i32 to vector<16xi32>
      %parallel_loop3A_30 = arith.shrui %parallel_loop3A_24, %parallel_loop3A_29 : vector<16xi32>
      %parallel_loop3A_31 = arith.constant 11 : i32
      %parallel_loop3A_32 = vector.broadcast %parallel_loop3A_31 : i32 to vector<16xi32>
      %parallel_loop3A_33 = arith.shli %parallel_loop3A_27, %parallel_loop3A_32 : vector<16xi32>
      %parallel_loop3A_34 = arith.ori %parallel_loop3A_33, %parallel_loop3A_30 : vector<16xi32>
      %parallel_loop3A_35 = vector.broadcast %mul3A_15 : i32 to vector<16xi32>
      %parallel_loop3A_36 = arith.subi %parallel_loop3A_34, %parallel_loop3A_35 : vector<16xi32>
      %parallel_loop3A_37 = arith.constant 0 : i32
      %parallel_loop3A_38 = vector.broadcast %parallel_loop3A_37 : i32 to vector<16xi32>
      %parallel_loop3A_39 = arith.cmpi sge, %parallel_loop3A_36, %parallel_loop3A_38 : vector<16xi32>
      %parallel_loop3A_40 = arith.constant 65536 : i32
      %parallel_loop3A_41 = vector.broadcast %parallel_loop3A_40 : i32 to vector<16xi32>
      %parallel_loop3A_42 = arith.cmpi slt, %parallel_loop3A_36, %parallel_loop3A_41 : vector<16xi32>
      %parallel_loop3A_43 = arith.andi %parallel_loop3A_39, %parallel_loop3A_42 : vector<16xi1>
      tpu.vector_store_idx %arg6[%parallel_loop3A_36], %broadcast_in_dim3A_1 masked %parallel_loop3A_43 : memref<65536xf32, #tpu.memory_space<vmem>>[vector<16xi32>], vector<16xf32>, vector<16xi1>
    } {sc.loop_unroll_factor = 8 : i64, sc.parallel_access}
    %multiple_of3A_19 = tpu.assume_multiple %mul3A_15, 65536 : i32
    "tpu.region"() ({
      %run_scoped3A = tpu.sem_alloc : memref<!tpu.dma_semaphore, #tpu.memory_space<semaphore_mem>>
      %dma_start3A = tpu.memref_slice %arg4[%multiple_of3A_19] : memref<4194304xf32, #tpu.memory_space<hbm>> -> memref<65536xf32, #tpu.memory_space<hbm>>
      %dma_start3A_20 = tpu.memref_slice %arg4[%multiple_of3A_19] : memref<4194304xf32, #tpu.memory_space<hbm>> -> memref<65536xf32, #tpu.memory_space<hbm>>
      tpu.enqueue_dma source(%arg6 : memref<65536xf32, #tpu.memory_space<vmem>>) target(%dma_start3A_20 : memref<65536xf32, #tpu.memory_space<hbm>>) target_semaphore(%run_scoped3A : memref<!tpu.dma_semaphore, #tpu.memory_space<semaphore_mem>>)
      %dma_wait3A = tpu.memref_slice %arg4[%multiple_of3A_19] : memref<4194304xf32, #tpu.memory_space<hbm>> -> memref<65536xf32, #tpu.memory_space<hbm>>
      %dma_wait3A_21 = tpu.memref_slice %arg4[%multiple_of3A_19] : memref<4194304xf32, #tpu.memory_space<hbm>> -> memref<65536xf32, #tpu.memory_space<hbm>>
      tpu.wait_dma2 semaphore(%run_scoped3A : memref<!tpu.dma_semaphore, #tpu.memory_space<semaphore_mem>>) src(%arg6 : memref<65536xf32, #tpu.memory_space<vmem>>) dst(%dma_wait3A_21 : memref<65536xf32, #tpu.memory_space<hbm>>)
      tpu.yield
    }) : () -> ()
    return
  }
}

module attributes {stable_mosaic.version = 14 : i64} {
  func.func @_proj_body(%arg0: i32, %arg1: memref<256x512xf32, #tpu.memory_space<vmem>>, %arg2: memref<512x512xf32, #tpu.memory_space<vmem>>, %arg3: memref<8x1x64xf32, #tpu.memory_space<vmem>>, %arg4: memref<512x512xf32, #tpu.memory_space<vmem>>, %arg5: memref<8x1x64xf32, #tpu.memory_space<vmem>>, %arg6: memref<8x256x64xf32, #tpu.memory_space<vmem>>, %arg7: memref<8x256x64xf32, #tpu.memory_space<vmem>>) attributes {dimension_semantics = [#tpu.dimension_semantics<arbitrary>], iteration_bounds = array<i64: 8>, scalar_prefetch = 0 : i64, scratch_operands = 0 : i64, tpu.core_type = #tpu.core_type<tc>, window_params = [{transform_indices = @transform_0, window_bounds = array<i64: 256, 512>}, {pipeline_mode = #tpu.pipeline_mode<synchronous>, transform_indices = @transform_1, window_bounds = array<i64: 512, 512>}, {pipeline_mode = #tpu.pipeline_mode<synchronous>, transform_indices = @transform_2, window_bounds = array<i64: 8, 1, 64>}, {pipeline_mode = #tpu.pipeline_mode<synchronous>, transform_indices = @transform_3, window_bounds = array<i64: 512, 512>}, {pipeline_mode = #tpu.pipeline_mode<synchronous>, transform_indices = @transform_4, window_bounds = array<i64: 8, 1, 64>}, {transform_indices = @transform_5, window_bounds = array<i64: 8, 256, 64>}, {transform_indices = @transform_6, window_bounds = array<i64: 8, 256, 64>}]} {
    %get3A = arith.constant 0 : index
    %get3A_0 = arith.constant 0 : index
    %get3A_1 = vector.load %arg1[%get3A, %get3A_0] : memref<256x512xf32, #tpu.memory_space<vmem>>, vector<256x512xf32>
    %get3A_2 = arith.constant 0 : index
    %get3A_3 = arith.constant 0 : index
    %get3A_4 = vector.load %arg2[%get3A_2, %get3A_3] : memref<512x512xf32, #tpu.memory_space<vmem>>, vector<64x512xf32>
    %get3A_5 = arith.constant 0 : index
    %get3A_6 = arith.constant 0 : index
    %get3A_7 = vector.load %arg4[%get3A_5, %get3A_6] : memref<512x512xf32, #tpu.memory_space<vmem>>, vector<64x512xf32>
    %dot_general3A = arith.constant dense<0.000000e+00> : vector<256x64xf32>
    %dot_general3A_8 = tpu.matmul %get3A_1, %get3A_4, %dot_general3A {dimension_numbers = #tpu.dot_dimension_numbers<[1], [1], [0], [0], [0, 0, 1, 0], [], []>, transpose_lhs_hint = false} : vector<256x512xf32>, vector<64x512xf32>, vector<256x64xf32> -> vector<256x64xf32>
    %get3A_9 = arith.constant 0 : index
    %get3A_10 = arith.constant 0 : index
    %get3A_11 = arith.constant 0 : index
    %get3A_12 = vector.load %arg3[%get3A_9, %get3A_10, %get3A_11] : memref<8x1x64xf32, #tpu.memory_space<vmem>>, vector<1x1x64xf32>
    %get3A_13 = vector.shape_cast %get3A_12 : vector<1x1x64xf32> to vector<1x64xf32>
    %add3A = vector.broadcast %get3A_13 : vector<1x64xf32> to vector<256x64xf32>
    %add3A_14 = arith.addf %dot_general3A_8, %add3A : vector<256x64xf32>
    %swap3A = arith.constant 0 : index
    %swap3A_15 = arith.constant 0 : index
    %swap3A_16 = arith.constant 0 : index
    %swap3A_17 = vector.load %arg6[%swap3A, %swap3A_15, %swap3A_16] : memref<8x256x64xf32, #tpu.memory_space<vmem>>, vector<1x256x64xf32>
    %swap3A_18 = vector.shape_cast %swap3A_17 : vector<1x256x64xf32> to vector<256x64xf32>
    %swap3A_19 = vector.shape_cast %add3A_14 : vector<256x64xf32> to vector<1x256x64xf32>
    tpu.vector_store %arg6[%swap3A, %swap3A_15, %swap3A_16], %swap3A_19 {strides = array<i32>} : memref<8x256x64xf32, #tpu.memory_space<vmem>>, vector<1x256x64xf32>,
    %dot_general3A_20 = arith.constant dense<0.000000e+00> : vector<256x64xf32>
    %dot_general3A_21 = tpu.matmul %get3A_1, %get3A_7, %dot_general3A_20 {dimension_numbers = #tpu.dot_dimension_numbers<[1], [1], [0], [0], [0, 0, 1, 0], [], []>, transpose_lhs_hint = false} : vector<256x512xf32>, vector<64x512xf32>, vector<256x64xf32> -> vector<256x64xf32>
    %get3A_22 = arith.constant 0 : index
    %get3A_23 = arith.constant 0 : index
    %get3A_24 = arith.constant 0 : index
    %get3A_25 = vector.load %arg5[%get3A_22, %get3A_23, %get3A_24] : memref<8x1x64xf32, #tpu.memory_space<vmem>>, vector<1x1x64xf32>
    %get3A_26 = vector.shape_cast %get3A_25 : vector<1x1x64xf32> to vector<1x64xf32>
    %add3A_27 = vector.broadcast %get3A_26 : vector<1x64xf32> to vector<256x64xf32>
    %add3A_28 = arith.addf %dot_general3A_21, %add3A_27 : vector<256x64xf32>
    %swap3A_29 = arith.constant 0 : index
    %swap3A_30 = arith.constant 0 : index
    %swap3A_31 = arith.constant 0 : index
    %swap3A_32 = vector.load %arg7[%swap3A_29, %swap3A_30, %swap3A_31] : memref<8x256x64xf32, #tpu.memory_space<vmem>>, vector<1x256x64xf32>
    %swap3A_33 = vector.shape_cast %swap3A_32 : vector<1x256x64xf32> to vector<256x64xf32>
    %swap3A_34 = vector.shape_cast %add3A_28 : vector<256x64xf32> to vector<1x256x64xf32>
    tpu.vector_store %arg7[%swap3A_29, %swap3A_30, %swap3A_31], %swap3A_34 {strides = array<i32>} : memref<8x256x64xf32, #tpu.memory_space<vmem>>, vector<1x256x64xf32>,
    %get3A_35 = arith.constant 64 : index
    %get3A_36 = arith.constant 0 : index
    %get3A_37 = vector.load %arg2[%get3A_35, %get3A_36] : memref<512x512xf32, #tpu.memory_space<vmem>>, vector<64x512xf32>
    %get3A_38 = arith.constant 64 : index
    %get3A_39 = arith.constant 0 : index
    %get3A_40 = vector.load %arg4[%get3A_38, %get3A_39] : memref<512x512xf32, #tpu.memory_space<vmem>>, vector<64x512xf32>
    %dot_general3A_41 = arith.constant dense<0.000000e+00> : vector<256x64xf32>
    %dot_general3A_42 = tpu.matmul %get3A_1, %get3A_37, %dot_general3A_41 {dimension_numbers = #tpu.dot_dimension_numbers<[1], [1], [0], [0], [0, 0, 1, 0], [], []>, transpose_lhs_hint = false} : vector<256x512xf32>, vector<64x512xf32>, vector<256x64xf32> -> vector<256x64xf32>
    %get3A_43 = arith.constant 1 : index
    %get3A_44 = arith.constant 0 : index
    %get3A_45 = arith.constant 0 : index
    %get3A_46 = vector.load %arg3[%get3A_43, %get3A_44, %get3A_45] : memref<8x1x64xf32, #tpu.memory_space<vmem>>, vector<1x1x64xf32>
    %get3A_47 = vector.shape_cast %get3A_46 : vector<1x1x64xf32> to vector<1x64xf32>
    %add3A_48 = vector.broadcast %get3A_47 : vector<1x64xf32> to vector<256x64xf32>
    %add3A_49 = arith.addf %dot_general3A_42, %add3A_48 : vector<256x64xf32>
    %swap3A_50 = arith.constant 1 : index
    %swap3A_51 = arith.constant 0 : index
    %swap3A_52 = arith.constant 0 : index
    %swap3A_53 = vector.load %arg6[%swap3A_50, %swap3A_51, %swap3A_52] : memref<8x256x64xf32, #tpu.memory_space<vmem>>, vector<1x256x64xf32>
    %swap3A_54 = vector.shape_cast %swap3A_53 : vector<1x256x64xf32> to vector<256x64xf32>
    %swap3A_55 = vector.shape_cast %add3A_49 : vector<256x64xf32> to vector<1x256x64xf32>
    tpu.vector_store %arg6[%swap3A_50, %swap3A_51, %swap3A_52], %swap3A_55 {strides = array<i32>} : memref<8x256x64xf32, #tpu.memory_space<vmem>>, vector<1x256x64xf32>,
    %dot_general3A_56 = arith.constant dense<0.000000e+00> : vector<256x64xf32>
    %dot_general3A_57 = tpu.matmul %get3A_1, %get3A_40, %dot_general3A_56 {dimension_numbers = #tpu.dot_dimension_numbers<[1], [1], [0], [0], [0, 0, 1, 0], [], []>, transpose_lhs_hint = false} : vector<256x512xf32>, vector<64x512xf32>, vector<256x64xf32> -> vector<256x64xf32>
    %get3A_58 = arith.constant 1 : index
    %get3A_59 = arith.constant 0 : index
    %get3A_60 = arith.constant 0 : index
    %get3A_61 = vector.load %arg5[%get3A_58, %get3A_59, %get3A_60] : memref<8x1x64xf32, #tpu.memory_space<vmem>>, vector<1x1x64xf32>
    %get3A_62 = vector.shape_cast %get3A_61 : vector<1x1x64xf32> to vector<1x64xf32>
    %add3A_63 = vector.broadcast %get3A_62 : vector<1x64xf32> to vector<256x64xf32>
    %add3A_64 = arith.addf %dot_general3A_57, %add3A_63 : vector<256x64xf32>
    %swap3A_65 = arith.constant 1 : index
    %swap3A_66 = arith.constant 0 : index
    %swap3A_67 = arith.constant 0 : index
    %swap3A_68 = vector.load %arg7[%swap3A_65, %swap3A_66, %swap3A_67] : memref<8x256x64xf32, #tpu.memory_space<vmem>>, vector<1x256x64xf32>
    %swap3A_69 = vector.shape_cast %swap3A_68 : vector<1x256x64xf32> to vector<256x64xf32>
    %swap3A_70 = vector.shape_cast %add3A_64 : vector<256x64xf32> to vector<1x256x64xf32>
    tpu.vector_store %arg7[%swap3A_65, %swap3A_66, %swap3A_67], %swap3A_70 {strides = array<i32>} : memref<8x256x64xf32, #tpu.memory_space<vmem>>, vector<1x256x64xf32>,
    %get3A_71 = arith.constant 128 : index
    %get3A_72 = arith.constant 0 : index
    %get3A_73 = vector.load %arg2[%get3A_71, %get3A_72] : memref<512x512xf32, #tpu.memory_space<vmem>>, vector<64x512xf32>
    %get3A_74 = arith.constant 128 : index
    %get3A_75 = arith.constant 0 : index
    %get3A_76 = vector.load %arg4[%get3A_74, %get3A_75] : memref<512x512xf32, #tpu.memory_space<vmem>>, vector<64x512xf32>
    %dot_general3A_77 = arith.constant dense<0.000000e+00> : vector<256x64xf32>
    %dot_general3A_78 = tpu.matmul %get3A_1, %get3A_73, %dot_general3A_77 {dimension_numbers = #tpu.dot_dimension_numbers<[1], [1], [0], [0], [0, 0, 1, 0], [], []>, transpose_lhs_hint = false} : vector<256x512xf32>, vector<64x512xf32>, vector<256x64xf32> -> vector<256x64xf32>
    %get3A_79 = arith.constant 2 : index
    %get3A_80 = arith.constant 0 : index
    %get3A_81 = arith.constant 0 : index
    %get3A_82 = vector.load %arg3[%get3A_79, %get3A_80, %get3A_81] : memref<8x1x64xf32, #tpu.memory_space<vmem>>, vector<1x1x64xf32>
    %get3A_83 = vector.shape_cast %get3A_82 : vector<1x1x64xf32> to vector<1x64xf32>
    %add3A_84 = vector.broadcast %get3A_83 : vector<1x64xf32> to vector<256x64xf32>
    %add3A_85 = arith.addf %dot_general3A_78, %add3A_84 : vector<256x64xf32>
    %swap3A_86 = arith.constant 2 : index
    %swap3A_87 = arith.constant 0 : index
    %swap3A_88 = arith.constant 0 : index
    %swap3A_89 = vector.load %arg6[%swap3A_86, %swap3A_87, %swap3A_88] : memref<8x256x64xf32, #tpu.memory_space<vmem>>, vector<1x256x64xf32>
    %swap3A_90 = vector.shape_cast %swap3A_89 : vector<1x256x64xf32> to vector<256x64xf32>
    %swap3A_91 = vector.shape_cast %add3A_85 : vector<256x64xf32> to vector<1x256x64xf32>
    tpu.vector_store %arg6[%swap3A_86, %swap3A_87, %swap3A_88], %swap3A_91 {strides = array<i32>} : memref<8x256x64xf32, #tpu.memory_space<vmem>>, vector<1x256x64xf32>,
    %dot_general3A_92 = arith.constant dense<0.000000e+00> : vector<256x64xf32>
    %dot_general3A_93 = tpu.matmul %get3A_1, %get3A_76, %dot_general3A_92 {dimension_numbers = #tpu.dot_dimension_numbers<[1], [1], [0], [0], [0, 0, 1, 0], [], []>, transpose_lhs_hint = false} : vector<256x512xf32>, vector<64x512xf32>, vector<256x64xf32> -> vector<256x64xf32>
    %get3A_94 = arith.constant 2 : index
    %get3A_95 = arith.constant 0 : index
    %get3A_96 = arith.constant 0 : index
    %get3A_97 = vector.load %arg5[%get3A_94, %get3A_95, %get3A_96] : memref<8x1x64xf32, #tpu.memory_space<vmem>>, vector<1x1x64xf32>
    %get3A_98 = vector.shape_cast %get3A_97 : vector<1x1x64xf32> to vector<1x64xf32>
    %add3A_99 = vector.broadcast %get3A_98 : vector<1x64xf32> to vector<256x64xf32>
    %add3A_100 = arith.addf %dot_general3A_93, %add3A_99 : vector<256x64xf32>
    %swap3A_101 = arith.constant 2 : index
    %swap3A_102 = arith.constant 0 : index
    %swap3A_103 = arith.constant 0 : index
    %swap3A_104 = vector.load %arg7[%swap3A_101, %swap3A_102, %swap3A_103] : memref<8x256x64xf32, #tpu.memory_space<vmem>>, vector<1x256x64xf32>
    %swap3A_105 = vector.shape_cast %swap3A_104 : vector<1x256x64xf32> to vector<256x64xf32>
    %swap3A_106 = vector.shape_cast %add3A_100 : vector<256x64xf32> to vector<1x256x64xf32>
    tpu.vector_store %arg7[%swap3A_101, %swap3A_102, %swap3A_103], %swap3A_106 {strides = array<i32>} : memref<8x256x64xf32, #tpu.memory_space<vmem>>, vector<1x256x64xf32>,
    %get3A_107 = arith.constant 192 : index
    %get3A_108 = arith.constant 0 : index
    %get3A_109 = vector.load %arg2[%get3A_107, %get3A_108] : memref<512x512xf32, #tpu.memory_space<vmem>>, vector<64x512xf32>
    %get3A_110 = arith.constant 192 : index
    %get3A_111 = arith.constant 0 : index
    %get3A_112 = vector.load %arg4[%get3A_110, %get3A_111] : memref<512x512xf32, #tpu.memory_space<vmem>>, vector<64x512xf32>
    %dot_general3A_113 = arith.constant dense<0.000000e+00> : vector<256x64xf32>
    %dot_general3A_114 = tpu.matmul %get3A_1, %get3A_109, %dot_general3A_113 {dimension_numbers = #tpu.dot_dimension_numbers<[1], [1], [0], [0], [0, 0, 1, 0], [], []>, transpose_lhs_hint = false} : vector<256x512xf32>, vector<64x512xf32>, vector<256x64xf32> -> vector<256x64xf32>
    %get3A_115 = arith.constant 3 : index
    %get3A_116 = arith.constant 0 : index
    %get3A_117 = arith.constant 0 : index
    %get3A_118 = vector.load %arg3[%get3A_115, %get3A_116, %get3A_117] : memref<8x1x64xf32, #tpu.memory_space<vmem>>, vector<1x1x64xf32>
    %get3A_119 = vector.shape_cast %get3A_118 : vector<1x1x64xf32> to vector<1x64xf32>
    %add3A_120 = vector.broadcast %get3A_119 : vector<1x64xf32> to vector<256x64xf32>
    %add3A_121 = arith.addf %dot_general3A_114, %add3A_120 : vector<256x64xf32>
    %swap3A_122 = arith.constant 3 : index
    %swap3A_123 = arith.constant 0 : index
    %swap3A_124 = arith.constant 0 : index
    %swap3A_125 = vector.load %arg6[%swap3A_122, %swap3A_123, %swap3A_124] : memref<8x256x64xf32, #tpu.memory_space<vmem>>, vector<1x256x64xf32>
    %swap3A_126 = vector.shape_cast %swap3A_125 : vector<1x256x64xf32> to vector<256x64xf32>
    %swap3A_127 = vector.shape_cast %add3A_121 : vector<256x64xf32> to vector<1x256x64xf32>
    tpu.vector_store %arg6[%swap3A_122, %swap3A_123, %swap3A_124], %swap3A_127 {strides = array<i32>} : memref<8x256x64xf32, #tpu.memory_space<vmem>>, vector<1x256x64xf32>,
    %dot_general3A_128 = arith.constant dense<0.000000e+00> : vector<256x64xf32>
    %dot_general3A_129 = tpu.matmul %get3A_1, %get3A_112, %dot_general3A_128 {dimension_numbers = #tpu.dot_dimension_numbers<[1], [1], [0], [0], [0, 0, 1, 0], [], []>, transpose_lhs_hint = false} : vector<256x512xf32>, vector<64x512xf32>, vector<256x64xf32> -> vector<256x64xf32>
    %get3A_130 = arith.constant 3 : index
    %get3A_131 = arith.constant 0 : index
    %get3A_132 = arith.constant 0 : index
    %get3A_133 = vector.load %arg5[%get3A_130, %get3A_131, %get3A_132] : memref<8x1x64xf32, #tpu.memory_space<vmem>>, vector<1x1x64xf32>
    %get3A_134 = vector.shape_cast %get3A_133 : vector<1x1x64xf32> to vector<1x64xf32>
    %add3A_135 = vector.broadcast %get3A_134 : vector<1x64xf32> to vector<256x64xf32>
    %add3A_136 = arith.addf %dot_general3A_129, %add3A_135 : vector<256x64xf32>
    %swap3A_137 = arith.constant 3 : index
    %swap3A_138 = arith.constant 0 : index
    %swap3A_139 = arith.constant 0 : index
    %swap3A_140 = vector.load %arg7[%swap3A_137, %swap3A_138, %swap3A_139] : memref<8x256x64xf32, #tpu.memory_space<vmem>>, vector<1x256x64xf32>
    %swap3A_141 = vector.shape_cast %swap3A_140 : vector<1x256x64xf32> to vector<256x64xf32>
    %swap3A_142 = vector.shape_cast %add3A_136 : vector<256x64xf32> to vector<1x256x64xf32>
    tpu.vector_store %arg7[%swap3A_137, %swap3A_138, %swap3A_139], %swap3A_142 {strides = array<i32>} : memref<8x256x64xf32, #tpu.memory_space<vmem>>, vector<1x256x64xf32>,
    %get3A_143 = arith.constant 256 : index
    %get3A_144 = arith.constant 0 : index
    %get3A_145 = vector.load %arg2[%get3A_143, %get3A_144] : memref<512x512xf32, #tpu.memory_space<vmem>>, vector<64x512xf32>
    %get3A_146 = arith.constant 256 : index
    %get3A_147 = arith.constant 0 : index
    %get3A_148 = vector.load %arg4[%get3A_146, %get3A_147] : memref<512x512xf32, #tpu.memory_space<vmem>>, vector<64x512xf32>
    %dot_general3A_149 = arith.constant dense<0.000000e+00> : vector<256x64xf32>
    %dot_general3A_150 = tpu.matmul %get3A_1, %get3A_145, %dot_general3A_149 {dimension_numbers = #tpu.dot_dimension_numbers<[1], [1], [0], [0], [0, 0, 1, 0], [], []>, transpose_lhs_hint = false} : vector<256x512xf32>, vector<64x512xf32>, vector<256x64xf32> -> vector<256x64xf32>
    %get3A_151 = arith.constant 4 : index
    %get3A_152 = arith.constant 0 : index
    %get3A_153 = arith.constant 0 : index
    %get3A_154 = vector.load %arg3[%get3A_151, %get3A_152, %get3A_153] : memref<8x1x64xf32, #tpu.memory_space<vmem>>, vector<1x1x64xf32>
    %get3A_155 = vector.shape_cast %get3A_154 : vector<1x1x64xf32> to vector<1x64xf32>
    %add3A_156 = vector.broadcast %get3A_155 : vector<1x64xf32> to vector<256x64xf32>
    %add3A_157 = arith.addf %dot_general3A_150, %add3A_156 : vector<256x64xf32>
    %swap3A_158 = arith.constant 4 : index
    %swap3A_159 = arith.constant 0 : index
    %swap3A_160 = arith.constant 0 : index
    %swap3A_161 = vector.load %arg6[%swap3A_158, %swap3A_159, %swap3A_160] : memref<8x256x64xf32, #tpu.memory_space<vmem>>, vector<1x256x64xf32>
    %swap3A_162 = vector.shape_cast %swap3A_161 : vector<1x256x64xf32> to vector<256x64xf32>
    %swap3A_163 = vector.shape_cast %add3A_157 : vector<256x64xf32> to vector<1x256x64xf32>
    tpu.vector_store %arg6[%swap3A_158, %swap3A_159, %swap3A_160], %swap3A_163 {strides = array<i32>} : memref<8x256x64xf32, #tpu.memory_space<vmem>>, vector<1x256x64xf32>,
    %dot_general3A_164 = arith.constant dense<0.000000e+00> : vector<256x64xf32>
    %dot_general3A_165 = tpu.matmul %get3A_1, %get3A_148, %dot_general3A_164 {dimension_numbers = #tpu.dot_dimension_numbers<[1], [1], [0], [0], [0, 0, 1, 0], [], []>, transpose_lhs_hint = false} : vector<256x512xf32>, vector<64x512xf32>, vector<256x64xf32> -> vector<256x64xf32>
    %get3A_166 = arith.constant 4 : index
    %get3A_167 = arith.constant 0 : index
    %get3A_168 = arith.constant 0 : index
    %get3A_169 = vector.load %arg5[%get3A_166, %get3A_167, %get3A_168] : memref<8x1x64xf32, #tpu.memory_space<vmem>>, vector<1x1x64xf32>
    %get3A_170 = vector.shape_cast %get3A_169 : vector<1x1x64xf32> to vector<1x64xf32>
    %add3A_171 = vector.broadcast %get3A_170 : vector<1x64xf32> to vector<256x64xf32>
    %add3A_172 = arith.addf %dot_general3A_165, %add3A_171 : vector<256x64xf32>
    %swap3A_173 = arith.constant 4 : index
    %swap3A_174 = arith.constant 0 : index
    %swap3A_175 = arith.constant 0 : index
    %swap3A_176 = vector.load %arg7[%swap3A_173, %swap3A_174, %swap3A_175] : memref<8x256x64xf32, #tpu.memory_space<vmem>>, vector<1x256x64xf32>
    %swap3A_177 = vector.shape_cast %swap3A_176 : vector<1x256x64xf32> to vector<256x64xf32>
    %swap3A_178 = vector.shape_cast %add3A_172 : vector<256x64xf32> to vector<1x256x64xf32>
    tpu.vector_store %arg7[%swap3A_173, %swap3A_174, %swap3A_175], %swap3A_178 {strides = array<i32>} : memref<8x256x64xf32, #tpu.memory_space<vmem>>, vector<1x256x64xf32>,
    %get3A_179 = arith.constant 320 : index
    %get3A_180 = arith.constant 0 : index
    %get3A_181 = vector.load %arg2[%get3A_179, %get3A_180] : memref<512x512xf32, #tpu.memory_space<vmem>>, vector<64x512xf32>
    %get3A_182 = arith.constant 320 : index
    %get3A_183 = arith.constant 0 : index
    %get3A_184 = vector.load %arg4[%get3A_182, %get3A_183] : memref<512x512xf32, #tpu.memory_space<vmem>>, vector<64x512xf32>
    %dot_general3A_185 = arith.constant dense<0.000000e+00> : vector<256x64xf32>
    %dot_general3A_186 = tpu.matmul %get3A_1, %get3A_181, %dot_general3A_185 {dimension_numbers = #tpu.dot_dimension_numbers<[1], [1], [0], [0], [0, 0, 1, 0], [], []>, transpose_lhs_hint = false} : vector<256x512xf32>, vector<64x512xf32>, vector<256x64xf32> -> vector<256x64xf32>
    %get3A_187 = arith.constant 5 : index
    %get3A_188 = arith.constant 0 : index
    %get3A_189 = arith.constant 0 : index
    %get3A_190 = vector.load %arg3[%get3A_187, %get3A_188, %get3A_189] : memref<8x1x64xf32, #tpu.memory_space<vmem>>, vector<1x1x64xf32>
    %get3A_191 = vector.shape_cast %get3A_190 : vector<1x1x64xf32> to vector<1x64xf32>
    %add3A_192 = vector.broadcast %get3A_191 : vector<1x64xf32> to vector<256x64xf32>
    %add3A_193 = arith.addf %dot_general3A_186, %add3A_192 : vector<256x64xf32>
    %swap3A_194 = arith.constant 5 : index
    %swap3A_195 = arith.constant 0 : index
    %swap3A_196 = arith.constant 0 : index
    %swap3A_197 = vector.load %arg6[%swap3A_194, %swap3A_195, %swap3A_196] : memref<8x256x64xf32, #tpu.memory_space<vmem>>, vector<1x256x64xf32>
    %swap3A_198 = vector.shape_cast %swap3A_197 : vector<1x256x64xf32> to vector<256x64xf32>
    %swap3A_199 = vector.shape_cast %add3A_193 : vector<256x64xf32> to vector<1x256x64xf32>
    tpu.vector_store %arg6[%swap3A_194, %swap3A_195, %swap3A_196], %swap3A_199 {strides = array<i32>} : memref<8x256x64xf32, #tpu.memory_space<vmem>>, vector<1x256x64xf32>,
    %dot_general3A_200 = arith.constant dense<0.000000e+00> : vector<256x64xf32>
    %dot_general3A_201 = tpu.matmul %get3A_1, %get3A_184, %dot_general3A_200 {dimension_numbers = #tpu.dot_dimension_numbers<[1], [1], [0], [0], [0, 0, 1, 0], [], []>, transpose_lhs_hint = false} : vector<256x512xf32>, vector<64x512xf32>, vector<256x64xf32> -> vector<256x64xf32>
    %get3A_202 = arith.constant 5 : index
    %get3A_203 = arith.constant 0 : index
    %get3A_204 = arith.constant 0 : index
    %get3A_205 = vector.load %arg5[%get3A_202, %get3A_203, %get3A_204] : memref<8x1x64xf32, #tpu.memory_space<vmem>>, vector<1x1x64xf32>
    %get3A_206 = vector.shape_cast %get3A_205 : vector<1x1x64xf32> to vector<1x64xf32>
    %add3A_207 = vector.broadcast %get3A_206 : vector<1x64xf32> to vector<256x64xf32>
    %add3A_208 = arith.addf %dot_general3A_201, %add3A_207 : vector<256x64xf32>
    %swap3A_209 = arith.constant 5 : index
    %swap3A_210 = arith.constant 0 : index
    %swap3A_211 = arith.constant 0 : index
    %swap3A_212 = vector.load %arg7[%swap3A_209, %swap3A_210, %swap3A_211] : memref<8x256x64xf32, #tpu.memory_space<vmem>>, vector<1x256x64xf32>
    %swap3A_213 = vector.shape_cast %swap3A_212 : vector<1x256x64xf32> to vector<256x64xf32>
    %swap3A_214 = vector.shape_cast %add3A_208 : vector<256x64xf32> to vector<1x256x64xf32>
    tpu.vector_store %arg7[%swap3A_209, %swap3A_210, %swap3A_211], %swap3A_214 {strides = array<i32>} : memref<8x256x64xf32, #tpu.memory_space<vmem>>, vector<1x256x64xf32>,
    %get3A_215 = arith.constant 384 : index
    %get3A_216 = arith.constant 0 : index
    %get3A_217 = vector.load %arg2[%get3A_215, %get3A_216] : memref<512x512xf32, #tpu.memory_space<vmem>>, vector<64x512xf32>
    %get3A_218 = arith.constant 384 : index
    %get3A_219 = arith.constant 0 : index
    %get3A_220 = vector.load %arg4[%get3A_218, %get3A_219] : memref<512x512xf32, #tpu.memory_space<vmem>>, vector<64x512xf32>
    %dot_general3A_221 = arith.constant dense<0.000000e+00> : vector<256x64xf32>
    %dot_general3A_222 = tpu.matmul %get3A_1, %get3A_217, %dot_general3A_221 {dimension_numbers = #tpu.dot_dimension_numbers<[1], [1], [0], [0], [0, 0, 1, 0], [], []>, transpose_lhs_hint = false} : vector<256x512xf32>, vector<64x512xf32>, vector<256x64xf32> -> vector<256x64xf32>
    %get3A_223 = arith.constant 6 : index
    %get3A_224 = arith.constant 0 : index
    %get3A_225 = arith.constant 0 : index
    %get3A_226 = vector.load %arg3[%get3A_223, %get3A_224, %get3A_225] : memref<8x1x64xf32, #tpu.memory_space<vmem>>, vector<1x1x64xf32>
    %get3A_227 = vector.shape_cast %get3A_226 : vector<1x1x64xf32> to vector<1x64xf32>
    %add3A_228 = vector.broadcast %get3A_227 : vector<1x64xf32> to vector<256x64xf32>
    %add3A_229 = arith.addf %dot_general3A_222, %add3A_228 : vector<256x64xf32>
    %swap3A_230 = arith.constant 6 : index
    %swap3A_231 = arith.constant 0 : index
    %swap3A_232 = arith.constant 0 : index
    %swap3A_233 = vector.load %arg6[%swap3A_230, %swap3A_231, %swap3A_232] : memref<8x256x64xf32, #tpu.memory_space<vmem>>, vector<1x256x64xf32>
    %swap3A_234 = vector.shape_cast %swap3A_233 : vector<1x256x64xf32> to vector<256x64xf32>
    %swap3A_235 = vector.shape_cast %add3A_229 : vector<256x64xf32> to vector<1x256x64xf32>
    tpu.vector_store %arg6[%swap3A_230, %swap3A_231, %swap3A_232], %swap3A_235 {strides = array<i32>} : memref<8x256x64xf32, #tpu.memory_space<vmem>>, vector<1x256x64xf32>,
    %dot_general3A_236 = arith.constant dense<0.000000e+00> : vector<256x64xf32>
    %dot_general3A_237 = tpu.matmul %get3A_1, %get3A_220, %dot_general3A_236 {dimension_numbers = #tpu.dot_dimension_numbers<[1], [1], [0], [0], [0, 0, 1, 0], [], []>, transpose_lhs_hint = false} : vector<256x512xf32>, vector<64x512xf32>, vector<256x64xf32> -> vector<256x64xf32>
    %get3A_238 = arith.constant 6 : index
    %get3A_239 = arith.constant 0 : index
    %get3A_240 = arith.constant 0 : index
    %get3A_241 = vector.load %arg5[%get3A_238, %get3A_239, %get3A_240] : memref<8x1x64xf32, #tpu.memory_space<vmem>>, vector<1x1x64xf32>
    %get3A_242 = vector.shape_cast %get3A_241 : vector<1x1x64xf32> to vector<1x64xf32>
    %add3A_243 = vector.broadcast %get3A_242 : vector<1x64xf32> to vector<256x64xf32>
    %add3A_244 = arith.addf %dot_general3A_237, %add3A_243 : vector<256x64xf32>
    %swap3A_245 = arith.constant 6 : index
    %swap3A_246 = arith.constant 0 : index
    %swap3A_247 = arith.constant 0 : index
    %swap3A_248 = vector.load %arg7[%swap3A_245, %swap3A_246, %swap3A_247] : memref<8x256x64xf32, #tpu.memory_space<vmem>>, vector<1x256x64xf32>
    %swap3A_249 = vector.shape_cast %swap3A_248 : vector<1x256x64xf32> to vector<256x64xf32>
    %swap3A_250 = vector.shape_cast %add3A_244 : vector<256x64xf32> to vector<1x256x64xf32>
    tpu.vector_store %arg7[%swap3A_245, %swap3A_246, %swap3A_247], %swap3A_250 {strides = array<i32>} : memref<8x256x64xf32, #tpu.memory_space<vmem>>, vector<1x256x64xf32>,
    %get3A_251 = arith.constant 448 : index
    %get3A_252 = arith.constant 0 : index
    %get3A_253 = vector.load %arg2[%get3A_251, %get3A_252] : memref<512x512xf32, #tpu.memory_space<vmem>>, vector<64x512xf32>
    %get3A_254 = arith.constant 448 : index
    %get3A_255 = arith.constant 0 : index
    %get3A_256 = vector.load %arg4[%get3A_254, %get3A_255] : memref<512x512xf32, #tpu.memory_space<vmem>>, vector<64x512xf32>
    %dot_general3A_257 = arith.constant dense<0.000000e+00> : vector<256x64xf32>
    %dot_general3A_258 = tpu.matmul %get3A_1, %get3A_253, %dot_general3A_257 {dimension_numbers = #tpu.dot_dimension_numbers<[1], [1], [0], [0], [0, 0, 1, 0], [], []>, transpose_lhs_hint = false} : vector<256x512xf32>, vector<64x512xf32>, vector<256x64xf32> -> vector<256x64xf32>
    %get3A_259 = arith.constant 7 : index
    %get3A_260 = arith.constant 0 : index
    %get3A_261 = arith.constant 0 : index
    %get3A_262 = vector.load %arg3[%get3A_259, %get3A_260, %get3A_261] : memref<8x1x64xf32, #tpu.memory_space<vmem>>, vector<1x1x64xf32>
    %get3A_263 = vector.shape_cast %get3A_262 : vector<1x1x64xf32> to vector<1x64xf32>
    %add3A_264 = vector.broadcast %get3A_263 : vector<1x64xf32> to vector<256x64xf32>
    %add3A_265 = arith.addf %dot_general3A_258, %add3A_264 : vector<256x64xf32>
    %swap3A_266 = arith.constant 7 : index
    %swap3A_267 = arith.constant 0 : index
    %swap3A_268 = arith.constant 0 : index
    %swap3A_269 = vector.load %arg6[%swap3A_266, %swap3A_267, %swap3A_268] : memref<8x256x64xf32, #tpu.memory_space<vmem>>, vector<1x256x64xf32>
    %swap3A_270 = vector.shape_cast %swap3A_269 : vector<1x256x64xf32> to vector<256x64xf32>
    %swap3A_271 = vector.shape_cast %add3A_265 : vector<256x64xf32> to vector<1x256x64xf32>
    tpu.vector_store %arg6[%swap3A_266, %swap3A_267, %swap3A_268], %swap3A_271 {strides = array<i32>} : memref<8x256x64xf32, #tpu.memory_space<vmem>>, vector<1x256x64xf32>,
    %dot_general3A_272 = arith.constant dense<0.000000e+00> : vector<256x64xf32>
    %dot_general3A_273 = tpu.matmul %get3A_1, %get3A_256, %dot_general3A_272 {dimension_numbers = #tpu.dot_dimension_numbers<[1], [1], [0], [0], [0, 0, 1, 0], [], []>, transpose_lhs_hint = false} : vector<256x512xf32>, vector<64x512xf32>, vector<256x64xf32> -> vector<256x64xf32>
    %get3A_274 = arith.constant 7 : index
    %get3A_275 = arith.constant 0 : index
    %get3A_276 = arith.constant 0 : index
    %get3A_277 = vector.load %arg5[%get3A_274, %get3A_275, %get3A_276] : memref<8x1x64xf32, #tpu.memory_space<vmem>>, vector<1x1x64xf32>
    %get3A_278 = vector.shape_cast %get3A_277 : vector<1x1x64xf32> to vector<1x64xf32>
    %add3A_279 = vector.broadcast %get3A_278 : vector<1x64xf32> to vector<256x64xf32>
    %add3A_280 = arith.addf %dot_general3A_273, %add3A_279 : vector<256x64xf32>
    %swap3A_281 = arith.constant 7 : index
    %swap3A_282 = arith.constant 0 : index
    %swap3A_283 = arith.constant 0 : index
    %swap3A_284 = vector.load %arg7[%swap3A_281, %swap3A_282, %swap3A_283] : memref<8x256x64xf32, #tpu.memory_space<vmem>>, vector<1x256x64xf32>
    %swap3A_285 = vector.shape_cast %swap3A_284 : vector<1x256x64xf32> to vector<256x64xf32>
    %swap3A_286 = vector.shape_cast %add3A_280 : vector<256x64xf32> to vector<1x256x64xf32>
    tpu.vector_store %arg7[%swap3A_281, %swap3A_282, %swap3A_283], %swap3A_286 {strides = array<i32>} : memref<8x256x64xf32, #tpu.memory_space<vmem>>, vector<1x256x64xf32>,
    return
  }
  func.func @transform_0(%arg0: i32) -> (i32, i32) {
    %c0_i32 = arith.constant 0 : i32
    %c0_i32_0 = arith.constant 0 : i32
    return %arg0, %c0_i32 : i32, i32
  }
  func.func @transform_1(%arg0: i32) -> (i32, i32) {
    %c0_i32 = arith.constant 0 : i32
    %c0_i32_0 = arith.constant 0 : i32
    %c0_i32_1 = arith.constant 0 : i32
    return %c0_i32, %c0_i32_0 : i32, i32
  }
  func.func @transform_2(%arg0: i32) -> (i32, i32, i32) {
    %c0_i32 = arith.constant 0 : i32
    %c0_i32_0 = arith.constant 0 : i32
    %c0_i32_1 = arith.constant 0 : i32
    %c0_i32_2 = arith.constant 0 : i32
    return %c0_i32, %c0_i32_0, %c0_i32_1 : i32, i32, i32
  }
  func.func @transform_3(%arg0: i32) -> (i32, i32) {
    %c0_i32 = arith.constant 0 : i32
    %c0_i32_0 = arith.constant 0 : i32
    %c0_i32_1 = arith.constant 0 : i32
    return %c0_i32, %c0_i32_0 : i32, i32
  }
  func.func @transform_4(%arg0: i32) -> (i32, i32, i32) {
    %c0_i32 = arith.constant 0 : i32
    %c0_i32_0 = arith.constant 0 : i32
    %c0_i32_1 = arith.constant 0 : i32
    %c0_i32_2 = arith.constant 0 : i32
    return %c0_i32, %c0_i32_0, %c0_i32_1 : i32, i32, i32
  }
  func.func @transform_5(%arg0: i32) -> (i32, i32, i32) {
    %c0_i32 = arith.constant 0 : i32
    %c0_i32_0 = arith.constant 0 : i32
    %c0_i32_1 = arith.constant 0 : i32
    return %c0_i32, %arg0, %c0_i32_0 : i32, i32, i32
  }
  func.func @transform_6(%arg0: i32) -> (i32, i32, i32) {
    %c0_i32 = arith.constant 0 : i32
    %c0_i32_0 = arith.constant 0 : i32
    %c0_i32_1 = arith.constant 0 : i32
    return %c0_i32, %arg0, %c0_i32_0 : i32, i32, i32
  }
}

module attributes {stable_mosaic.version = 14 : i64} {
  func.func @_attn_body(%arg0: i32, %arg1: memref<8x256x64xf32, #tpu.memory_space<vmem>>, %arg2: memref<8x2048x64xf32, #tpu.memory_space<vmem>>, %arg3: memref<256x2048xf32, #tpu.memory_space<vmem>>, %arg4: memref<256x2048xf32, #tpu.memory_space<vmem>>, %arg5: memref<2048x512xf32, #tpu.memory_space<vmem>>, %arg6: memref<256x512xf32, #tpu.memory_space<vmem>>) attributes {dimension_semantics = [#tpu.dimension_semantics<arbitrary>], iteration_bounds = array<i64: 8>, scalar_prefetch = 0 : i64, scratch_operands = 0 : i64, tpu.core_type = #tpu.core_type<tc>, window_params = [{transform_indices = @transform_0, window_bounds = array<i64: 8, 256, 64>}, {pipeline_mode = #tpu.pipeline_mode<synchronous>, transform_indices = @transform_1, window_bounds = array<i64: 8, 2048, 64>}, {transform_indices = @transform_2, window_bounds = array<i64: 256, 2048>}, {transform_indices = @transform_3, window_bounds = array<i64: 256, 2048>}, {pipeline_mode = #tpu.pipeline_mode<synchronous>, transform_indices = @transform_4, window_bounds = array<i64: 2048, 512>}, {transform_indices = @transform_5, window_bounds = array<i64: 256, 512>}]} {
    %get3A = arith.constant 0 : index
    %get3A_0 = arith.constant 0 : index
    %get3A_1 = vector.load %arg3[%get3A, %get3A_0] : memref<256x2048xf32, #tpu.memory_space<vmem>>, vector<256x2048xf32>
    %get3A_2 = arith.constant 0 : index
    %get3A_3 = arith.constant 0 : index
    %get3A_4 = vector.load %arg4[%get3A_2, %get3A_3] : memref<256x2048xf32, #tpu.memory_space<vmem>>, vector<256x2048xf32>
    %iota3A = tpu.iota {dimensions = array<i32: 0>} : vector<256x2048xi32>
    %mul3A = arith.constant 256 : i32
    %mul3A_5 = arith.muli %arg0, %mul3A : i32
    %add3A = vector.broadcast %mul3A_5 : i32 to vector<256x2048xi32>
    %add3A_6 = arith.addi %iota3A, %add3A : vector<256x2048xi32>
    %iota3A_7 = tpu.iota {dimensions = array<i32: 1>} : vector<256x2048xi32>
    %eq3A = arith.cmpi eq, %add3A_6, %iota3A_7 : vector<256x2048xi32>
    %mul3A_8 = arith.constant 1.250000e-01 : f32
    %mul3A_9 = vector.broadcast %mul3A_8 : f32 to vector<256x2048xf32>
    %mul3A_10 = arith.mulf %get3A_1, %mul3A_9 : vector<256x2048xf32>
    %jit3A = arith.constant 0.000000e+00 : f32
    %broadcast_in_dim3A = vector.broadcast %jit3A : f32 to vector<256x2048xf32>
    %select_n3A = arith.select %eq3A, %broadcast_in_dim3A, %mul3A_10 : vector<256x2048xi1>, vector<256x2048xf32>
    %eq3A_11 = arith.constant 1.000000e+00 : f32
    %eq3A_12 = vector.broadcast %eq3A_11 : f32 to vector<256x2048xf32>
    %eq3A_13 = arith.cmpf oeq, %get3A_4, %eq3A_12 : vector<256x2048xf32>
    %jit3A_14 = arith.constant 0.000000e+00 : f32
    %jit3A_15 = arith.constant 0xFF800000 : f32
    %broadcast_in_dim3A_16 = vector.broadcast %jit3A_14 : f32 to vector<256x2048xf32>
    %broadcast_in_dim3A_17 = vector.broadcast %jit3A_15 : f32 to vector<256x2048xf32>
    %select_n3A_18 = arith.select %eq3A_13, %broadcast_in_dim3A_16, %broadcast_in_dim3A_17 : vector<256x2048xi1>, vector<256x2048xf32>
    %jit3A_19 = arith.constant 1.000000e-07 : f32
    %broadcast_in_dim3A_20 = vector.broadcast %jit3A_19 : f32 to vector<256x2048xf32>
    %select_n3A_21 = arith.select %eq3A, %broadcast_in_dim3A_20, %select_n3A_18 : vector<256x2048xi1>, vector<256x2048xf32>
    %broadcast_in_dim3A_22 = arith.constant 0.000000e+00 : f32
    %broadcast_in_dim3A_23 = vector.broadcast %broadcast_in_dim3A_22 : f32 to vector<256x2048xf32>
    %get3A_24 = arith.constant 0 : index
    %get3A_25 = arith.constant 0 : index
    %get3A_26 = arith.constant 0 : index
    %get3A_27 = vector.load %arg1[%get3A_24, %get3A_25, %get3A_26] : memref<8x256x64xf32, #tpu.memory_space<vmem>>, vector<1x256x64xf32>
    %get3A_28 = vector.shape_cast %get3A_27 : vector<1x256x64xf32> to vector<256x64xf32>
    %get3A_29 = arith.constant 0 : index
    %get3A_30 = arith.constant 0 : index
    %get3A_31 = arith.constant 0 : index
    %get3A_32 = vector.load %arg2[%get3A_29, %get3A_30, %get3A_31] : memref<8x2048x64xf32, #tpu.memory_space<vmem>>, vector<1x2048x64xf32>
    %get3A_33 = vector.shape_cast %get3A_32 : vector<1x2048x64xf32> to vector<2048x64xf32>
    %dot_general3A = arith.constant dense<0.000000e+00> : vector<256x2048xf32>
    %dot_general3A_34 = tpu.matmul %get3A_28, %get3A_33, %dot_general3A {dimension_numbers = #tpu.dot_dimension_numbers<[1], [1], [0], [0], [0, 0, 1, 0], [], []>, transpose_lhs_hint = false} : vector<256x64xf32>, vector<2048x64xf32>, vector<256x2048xf32> -> vector<256x2048xf32>
    %mul3A_35 = arith.mulf %dot_general3A_34, %select_n3A : vector<256x2048xf32>
    %add3A_36 = arith.addf %mul3A_35, %select_n3A_21 : vector<256x2048xf32>
    %exp3A = math.exp %add3A_36 : vector<256x2048xf32>
    %reduce_sum3A = arith.constant dense<0.000000e+00> : vector<256xf32>
    %reduce_sum3A_37 = vector.multi_reduction <add>, %exp3A, %reduce_sum3A [1] : vector<256x2048xf32> to vector<256xf32>
    %broadcast_in_dim3A_38 = vector.shape_cast %reduce_sum3A_37 : vector<256xf32> to vector<256x1xf32>
    %div3A = arith.constant 1.000000e+00 : f32
    %div3A_39 = vector.broadcast %div3A : f32 to vector<256x1xf32>
    %div3A_40 = arith.divf %div3A_39, %broadcast_in_dim3A_38 : vector<256x1xf32>
    %mul3A_41 = vector.broadcast %div3A_40 : vector<256x1xf32> to vector<256x2048xf32>
    %mul3A_42 = arith.mulf %exp3A, %mul3A_41 : vector<256x2048xf32>
    %add3A_43 = arith.addf %broadcast_in_dim3A_23, %mul3A_42 : vector<256x2048xf32>
    %get3A_44 = arith.constant 1 : index
    %get3A_45 = arith.constant 0 : index
    %get3A_46 = arith.constant 0 : index
    %get3A_47 = vector.load %arg1[%get3A_44, %get3A_45, %get3A_46] : memref<8x256x64xf32, #tpu.memory_space<vmem>>, vector<1x256x64xf32>
    %get3A_48 = vector.shape_cast %get3A_47 : vector<1x256x64xf32> to vector<256x64xf32>
    %get3A_49 = arith.constant 1 : index
    %get3A_50 = arith.constant 0 : index
    %get3A_51 = arith.constant 0 : index
    %get3A_52 = vector.load %arg2[%get3A_49, %get3A_50, %get3A_51] : memref<8x2048x64xf32, #tpu.memory_space<vmem>>, vector<1x2048x64xf32>
    %get3A_53 = vector.shape_cast %get3A_52 : vector<1x2048x64xf32> to vector<2048x64xf32>
    %dot_general3A_54 = arith.constant dense<0.000000e+00> : vector<256x2048xf32>
    %dot_general3A_55 = tpu.matmul %get3A_48, %get3A_53, %dot_general3A_54 {dimension_numbers = #tpu.dot_dimension_numbers<[1], [1], [0], [0], [0, 0, 1, 0], [], []>, transpose_lhs_hint = false} : vector<256x64xf32>, vector<2048x64xf32>, vector<256x2048xf32> -> vector<256x2048xf32>
    %mul3A_56 = arith.mulf %dot_general3A_55, %select_n3A : vector<256x2048xf32>
    %add3A_57 = arith.addf %mul3A_56, %select_n3A_21 : vector<256x2048xf32>
    %exp3A_58 = math.exp %add3A_57 : vector<256x2048xf32>
    %reduce_sum3A_59 = arith.constant dense<0.000000e+00> : vector<256xf32>
    %reduce_sum3A_60 = vector.multi_reduction <add>, %exp3A_58, %reduce_sum3A_59 [1] : vector<256x2048xf32> to vector<256xf32>
    %broadcast_in_dim3A_61 = vector.shape_cast %reduce_sum3A_60 : vector<256xf32> to vector<256x1xf32>
    %div3A_62 = arith.constant 1.000000e+00 : f32
    %div3A_63 = vector.broadcast %div3A_62 : f32 to vector<256x1xf32>
    %div3A_64 = arith.divf %div3A_63, %broadcast_in_dim3A_61 : vector<256x1xf32>
    %mul3A_65 = vector.broadcast %div3A_64 : vector<256x1xf32> to vector<256x2048xf32>
    %mul3A_66 = arith.mulf %exp3A_58, %mul3A_65 : vector<256x2048xf32>
    %add3A_67 = arith.addf %add3A_43, %mul3A_66 : vector<256x2048xf32>
    %get3A_68 = arith.constant 2 : index
    %get3A_69 = arith.constant 0 : index
    %get3A_70 = arith.constant 0 : index
    %get3A_71 = vector.load %arg1[%get3A_68, %get3A_69, %get3A_70] : memref<8x256x64xf32, #tpu.memory_space<vmem>>, vector<1x256x64xf32>
    %get3A_72 = vector.shape_cast %get3A_71 : vector<1x256x64xf32> to vector<256x64xf32>
    %get3A_73 = arith.constant 2 : index
    %get3A_74 = arith.constant 0 : index
    %get3A_75 = arith.constant 0 : index
    %get3A_76 = vector.load %arg2[%get3A_73, %get3A_74, %get3A_75] : memref<8x2048x64xf32, #tpu.memory_space<vmem>>, vector<1x2048x64xf32>
    %get3A_77 = vector.shape_cast %get3A_76 : vector<1x2048x64xf32> to vector<2048x64xf32>
    %dot_general3A_78 = arith.constant dense<0.000000e+00> : vector<256x2048xf32>
    %dot_general3A_79 = tpu.matmul %get3A_72, %get3A_77, %dot_general3A_78 {dimension_numbers = #tpu.dot_dimension_numbers<[1], [1], [0], [0], [0, 0, 1, 0], [], []>, transpose_lhs_hint = false} : vector<256x64xf32>, vector<2048x64xf32>, vector<256x2048xf32> -> vector<256x2048xf32>
    %mul3A_80 = arith.mulf %dot_general3A_79, %select_n3A : vector<256x2048xf32>
    %add3A_81 = arith.addf %mul3A_80, %select_n3A_21 : vector<256x2048xf32>
    %exp3A_82 = math.exp %add3A_81 : vector<256x2048xf32>
    %reduce_sum3A_83 = arith.constant dense<0.000000e+00> : vector<256xf32>
    %reduce_sum3A_84 = vector.multi_reduction <add>, %exp3A_82, %reduce_sum3A_83 [1] : vector<256x2048xf32> to vector<256xf32>
    %broadcast_in_dim3A_85 = vector.shape_cast %reduce_sum3A_84 : vector<256xf32> to vector<256x1xf32>
    %div3A_86 = arith.constant 1.000000e+00 : f32
    %div3A_87 = vector.broadcast %div3A_86 : f32 to vector<256x1xf32>
    %div3A_88 = arith.divf %div3A_87, %broadcast_in_dim3A_85 : vector<256x1xf32>
    %mul3A_89 = vector.broadcast %div3A_88 : vector<256x1xf32> to vector<256x2048xf32>
    %mul3A_90 = arith.mulf %exp3A_82, %mul3A_89 : vector<256x2048xf32>
    %add3A_91 = arith.addf %add3A_67, %mul3A_90 : vector<256x2048xf32>
    %get3A_92 = arith.constant 3 : index
    %get3A_93 = arith.constant 0 : index
    %get3A_94 = arith.constant 0 : index
    %get3A_95 = vector.load %arg1[%get3A_92, %get3A_93, %get3A_94] : memref<8x256x64xf32, #tpu.memory_space<vmem>>, vector<1x256x64xf32>
    %get3A_96 = vector.shape_cast %get3A_95 : vector<1x256x64xf32> to vector<256x64xf32>
    %get3A_97 = arith.constant 3 : index
    %get3A_98 = arith.constant 0 : index
    %get3A_99 = arith.constant 0 : index
    %get3A_100 = vector.load %arg2[%get3A_97, %get3A_98, %get3A_99] : memref<8x2048x64xf32, #tpu.memory_space<vmem>>, vector<1x2048x64xf32>
    %get3A_101 = vector.shape_cast %get3A_100 : vector<1x2048x64xf32> to vector<2048x64xf32>
    %dot_general3A_102 = arith.constant dense<0.000000e+00> : vector<256x2048xf32>
    %dot_general3A_103 = tpu.matmul %get3A_96, %get3A_101, %dot_general3A_102 {dimension_numbers = #tpu.dot_dimension_numbers<[1], [1], [0], [0], [0, 0, 1, 0], [], []>, transpose_lhs_hint = false} : vector<256x64xf32>, vector<2048x64xf32>, vector<256x2048xf32> -> vector<256x2048xf32>
    %mul3A_104 = arith.mulf %dot_general3A_103, %select_n3A : vector<256x2048xf32>
    %add3A_105 = arith.addf %mul3A_104, %select_n3A_21 : vector<256x2048xf32>
    %exp3A_106 = math.exp %add3A_105 : vector<256x2048xf32>
    %reduce_sum3A_107 = arith.constant dense<0.000000e+00> : vector<256xf32>
    %reduce_sum3A_108 = vector.multi_reduction <add>, %exp3A_106, %reduce_sum3A_107 [1] : vector<256x2048xf32> to vector<256xf32>
    %broadcast_in_dim3A_109 = vector.shape_cast %reduce_sum3A_108 : vector<256xf32> to vector<256x1xf32>
    %div3A_110 = arith.constant 1.000000e+00 : f32
    %div3A_111 = vector.broadcast %div3A_110 : f32 to vector<256x1xf32>
    %div3A_112 = arith.divf %div3A_111, %broadcast_in_dim3A_109 : vector<256x1xf32>
    %mul3A_113 = vector.broadcast %div3A_112 : vector<256x1xf32> to vector<256x2048xf32>
    %mul3A_114 = arith.mulf %exp3A_106, %mul3A_113 : vector<256x2048xf32>
    %add3A_115 = arith.addf %add3A_91, %mul3A_114 : vector<256x2048xf32>
    %get3A_116 = arith.constant 4 : index
    %get3A_117 = arith.constant 0 : index
    %get3A_118 = arith.constant 0 : index
    %get3A_119 = vector.load %arg1[%get3A_116, %get3A_117, %get3A_118] : memref<8x256x64xf32, #tpu.memory_space<vmem>>, vector<1x256x64xf32>
    %get3A_120 = vector.shape_cast %get3A_119 : vector<1x256x64xf32> to vector<256x64xf32>
    %get3A_121 = arith.constant 4 : index
    %get3A_122 = arith.constant 0 : index
    %get3A_123 = arith.constant 0 : index
    %get3A_124 = vector.load %arg2[%get3A_121, %get3A_122, %get3A_123] : memref<8x2048x64xf32, #tpu.memory_space<vmem>>, vector<1x2048x64xf32>
    %get3A_125 = vector.shape_cast %get3A_124 : vector<1x2048x64xf32> to vector<2048x64xf32>
    %dot_general3A_126 = arith.constant dense<0.000000e+00> : vector<256x2048xf32>
    %dot_general3A_127 = tpu.matmul %get3A_120, %get3A_125, %dot_general3A_126 {dimension_numbers = #tpu.dot_dimension_numbers<[1], [1], [0], [0], [0, 0, 1, 0], [], []>, transpose_lhs_hint = false} : vector<256x64xf32>, vector<2048x64xf32>, vector<256x2048xf32> -> vector<256x2048xf32>
    %mul3A_128 = arith.mulf %dot_general3A_127, %select_n3A : vector<256x2048xf32>
    %add3A_129 = arith.addf %mul3A_128, %select_n3A_21 : vector<256x2048xf32>
    %exp3A_130 = math.exp %add3A_129 : vector<256x2048xf32>
    %reduce_sum3A_131 = arith.constant dense<0.000000e+00> : vector<256xf32>
    %reduce_sum3A_132 = vector.multi_reduction <add>, %exp3A_130, %reduce_sum3A_131 [1] : vector<256x2048xf32> to vector<256xf32>
    %broadcast_in_dim3A_133 = vector.shape_cast %reduce_sum3A_132 : vector<256xf32> to vector<256x1xf32>
    %div3A_134 = arith.constant 1.000000e+00 : f32
    %div3A_135 = vector.broadcast %div3A_134 : f32 to vector<256x1xf32>
    %div3A_136 = arith.divf %div3A_135, %broadcast_in_dim3A_133 : vector<256x1xf32>
    %mul3A_137 = vector.broadcast %div3A_136 : vector<256x1xf32> to vector<256x2048xf32>
    %mul3A_138 = arith.mulf %exp3A_130, %mul3A_137 : vector<256x2048xf32>
    %add3A_139 = arith.addf %add3A_115, %mul3A_138 : vector<256x2048xf32>
    %get3A_140 = arith.constant 5 : index
    %get3A_141 = arith.constant 0 : index
    %get3A_142 = arith.constant 0 : index
    %get3A_143 = vector.load %arg1[%get3A_140, %get3A_141, %get3A_142] : memref<8x256x64xf32, #tpu.memory_space<vmem>>, vector<1x256x64xf32>
    %get3A_144 = vector.shape_cast %get3A_143 : vector<1x256x64xf32> to vector<256x64xf32>
    %get3A_145 = arith.constant 5 : index
    %get3A_146 = arith.constant 0 : index
    %get3A_147 = arith.constant 0 : index
    %get3A_148 = vector.load %arg2[%get3A_145, %get3A_146, %get3A_147] : memref<8x2048x64xf32, #tpu.memory_space<vmem>>, vector<1x2048x64xf32>
    %get3A_149 = vector.shape_cast %get3A_148 : vector<1x2048x64xf32> to vector<2048x64xf32>
    %dot_general3A_150 = arith.constant dense<0.000000e+00> : vector<256x2048xf32>
    %dot_general3A_151 = tpu.matmul %get3A_144, %get3A_149, %dot_general3A_150 {dimension_numbers = #tpu.dot_dimension_numbers<[1], [1], [0], [0], [0, 0, 1, 0], [], []>, transpose_lhs_hint = false} : vector<256x64xf32>, vector<2048x64xf32>, vector<256x2048xf32> -> vector<256x2048xf32>
    %mul3A_152 = arith.mulf %dot_general3A_151, %select_n3A : vector<256x2048xf32>
    %add3A_153 = arith.addf %mul3A_152, %select_n3A_21 : vector<256x2048xf32>
    %exp3A_154 = math.exp %add3A_153 : vector<256x2048xf32>
    %reduce_sum3A_155 = arith.constant dense<0.000000e+00> : vector<256xf32>
    %reduce_sum3A_156 = vector.multi_reduction <add>, %exp3A_154, %reduce_sum3A_155 [1] : vector<256x2048xf32> to vector<256xf32>
    %broadcast_in_dim3A_157 = vector.shape_cast %reduce_sum3A_156 : vector<256xf32> to vector<256x1xf32>
    %div3A_158 = arith.constant 1.000000e+00 : f32
    %div3A_159 = vector.broadcast %div3A_158 : f32 to vector<256x1xf32>
    %div3A_160 = arith.divf %div3A_159, %broadcast_in_dim3A_157 : vector<256x1xf32>
    %mul3A_161 = vector.broadcast %div3A_160 : vector<256x1xf32> to vector<256x2048xf32>
    %mul3A_162 = arith.mulf %exp3A_154, %mul3A_161 : vector<256x2048xf32>
    %add3A_163 = arith.addf %add3A_139, %mul3A_162 : vector<256x2048xf32>
    %get3A_164 = arith.constant 6 : index
    %get3A_165 = arith.constant 0 : index
    %get3A_166 = arith.constant 0 : index
    %get3A_167 = vector.load %arg1[%get3A_164, %get3A_165, %get3A_166] : memref<8x256x64xf32, #tpu.memory_space<vmem>>, vector<1x256x64xf32>
    %get3A_168 = vector.shape_cast %get3A_167 : vector<1x256x64xf32> to vector<256x64xf32>
    %get3A_169 = arith.constant 6 : index
    %get3A_170 = arith.constant 0 : index
    %get3A_171 = arith.constant 0 : index
    %get3A_172 = vector.load %arg2[%get3A_169, %get3A_170, %get3A_171] : memref<8x2048x64xf32, #tpu.memory_space<vmem>>, vector<1x2048x64xf32>
    %get3A_173 = vector.shape_cast %get3A_172 : vector<1x2048x64xf32> to vector<2048x64xf32>
    %dot_general3A_174 = arith.constant dense<0.000000e+00> : vector<256x2048xf32>
    %dot_general3A_175 = tpu.matmul %get3A_168, %get3A_173, %dot_general3A_174 {dimension_numbers = #tpu.dot_dimension_numbers<[1], [1], [0], [0], [0, 0, 1, 0], [], []>, transpose_lhs_hint = false} : vector<256x64xf32>, vector<2048x64xf32>, vector<256x2048xf32> -> vector<256x2048xf32>
    %mul3A_176 = arith.mulf %dot_general3A_175, %select_n3A : vector<256x2048xf32>
    %add3A_177 = arith.addf %mul3A_176, %select_n3A_21 : vector<256x2048xf32>
    %exp3A_178 = math.exp %add3A_177 : vector<256x2048xf32>
    %reduce_sum3A_179 = arith.constant dense<0.000000e+00> : vector<256xf32>
    %reduce_sum3A_180 = vector.multi_reduction <add>, %exp3A_178, %reduce_sum3A_179 [1] : vector<256x2048xf32> to vector<256xf32>
    %broadcast_in_dim3A_181 = vector.shape_cast %reduce_sum3A_180 : vector<256xf32> to vector<256x1xf32>
    %div3A_182 = arith.constant 1.000000e+00 : f32
    %div3A_183 = vector.broadcast %div3A_182 : f32 to vector<256x1xf32>
    %div3A_184 = arith.divf %div3A_183, %broadcast_in_dim3A_181 : vector<256x1xf32>
    %mul3A_185 = vector.broadcast %div3A_184 : vector<256x1xf32> to vector<256x2048xf32>
    %mul3A_186 = arith.mulf %exp3A_178, %mul3A_185 : vector<256x2048xf32>
    %add3A_187 = arith.addf %add3A_163, %mul3A_186 : vector<256x2048xf32>
    %get3A_188 = arith.constant 7 : index
    %get3A_189 = arith.constant 0 : index
    %get3A_190 = arith.constant 0 : index
    %get3A_191 = vector.load %arg1[%get3A_188, %get3A_189, %get3A_190] : memref<8x256x64xf32, #tpu.memory_space<vmem>>, vector<1x256x64xf32>
    %get3A_192 = vector.shape_cast %get3A_191 : vector<1x256x64xf32> to vector<256x64xf32>
    %get3A_193 = arith.constant 7 : index
    %get3A_194 = arith.constant 0 : index
    %get3A_195 = arith.constant 0 : index
    %get3A_196 = vector.load %arg2[%get3A_193, %get3A_194, %get3A_195] : memref<8x2048x64xf32, #tpu.memory_space<vmem>>, vector<1x2048x64xf32>
    %get3A_197 = vector.shape_cast %get3A_196 : vector<1x2048x64xf32> to vector<2048x64xf32>
    %dot_general3A_198 = arith.constant dense<0.000000e+00> : vector<256x2048xf32>
    %dot_general3A_199 = tpu.matmul %get3A_192, %get3A_197, %dot_general3A_198 {dimension_numbers = #tpu.dot_dimension_numbers<[1], [1], [0], [0], [0, 0, 1, 0], [], []>, transpose_lhs_hint = false} : vector<256x64xf32>, vector<2048x64xf32>, vector<256x2048xf32> -> vector<256x2048xf32>
    %mul3A_200 = arith.mulf %dot_general3A_199, %select_n3A : vector<256x2048xf32>
    %add3A_201 = arith.addf %mul3A_200, %select_n3A_21 : vector<256x2048xf32>
    %exp3A_202 = math.exp %add3A_201 : vector<256x2048xf32>
    %reduce_sum3A_203 = arith.constant dense<0.000000e+00> : vector<256xf32>
    %reduce_sum3A_204 = vector.multi_reduction <add>, %exp3A_202, %reduce_sum3A_203 [1] : vector<256x2048xf32> to vector<256xf32>
    %broadcast_in_dim3A_205 = vector.shape_cast %reduce_sum3A_204 : vector<256xf32> to vector<256x1xf32>
    %div3A_206 = arith.constant 1.000000e+00 : f32
    %div3A_207 = vector.broadcast %div3A_206 : f32 to vector<256x1xf32>
    %div3A_208 = arith.divf %div3A_207, %broadcast_in_dim3A_205 : vector<256x1xf32>
    %mul3A_209 = vector.broadcast %div3A_208 : vector<256x1xf32> to vector<256x2048xf32>
    %mul3A_210 = arith.mulf %exp3A_202, %mul3A_209 : vector<256x2048xf32>
    %add3A_211 = arith.addf %add3A_187, %mul3A_210 : vector<256x2048xf32>
    %get3A_212 = arith.constant 0 : index
    %get3A_213 = arith.constant 0 : index
    %get3A_214 = vector.load %arg5[%get3A_212, %get3A_213] : memref<2048x512xf32, #tpu.memory_space<vmem>>, vector<2048x512xf32>
    %dot_general3A_215 = arith.constant dense<0.000000e+00> : vector<256x512xf32>
    %dot_general3A_216 = tpu.matmul %add3A_211, %get3A_214, %dot_general3A_215 {dimension_numbers = #tpu.dot_dimension_numbers<[1], [0], [0], [1], [0, 0, 1, 1], [], []>, transpose_lhs_hint = false} : vector<256x2048xf32>, vector<2048x512xf32>, vector<256x512xf32> -> vector<256x512xf32>
    %mul3A_217 = arith.constant 1.250000e-01 : f32
    %mul3A_218 = vector.broadcast %mul3A_217 : f32 to vector<256x512xf32>
    %mul3A_219 = arith.mulf %dot_general3A_216, %mul3A_218 : vector<256x512xf32>
    %swap3A = arith.constant 0 : index
    %swap3A_220 = arith.constant 0 : index
    %swap3A_221 = vector.load %arg6[%swap3A, %swap3A_220] : memref<256x512xf32, #tpu.memory_space<vmem>>, vector<256x512xf32>
    tpu.vector_store %arg6[%swap3A, %swap3A_220], %mul3A_219 {strides = array<i32>} : memref<256x512xf32, #tpu.memory_space<vmem>>, vector<256x512xf32>,
    return
  }
  func.func @transform_0(%arg0: i32) -> (i32, i32, i32) {
    %c0_i32 = arith.constant 0 : i32
    %c0_i32_0 = arith.constant 0 : i32
    %c0_i32_1 = arith.constant 0 : i32
    return %c0_i32, %arg0, %c0_i32_0 : i32, i32, i32
  }
  func.func @transform_1(%arg0: i32) -> (i32, i32, i32) {
    %c0_i32 = arith.constant 0 : i32
    %c0_i32_0 = arith.constant 0 : i32
    %c0_i32_1 = arith.constant 0 : i32
    %c0_i32_2 = arith.constant 0 : i32
    return %c0_i32, %c0_i32_0, %c0_i32_1 : i32, i32, i32
  }
  func.func @transform_2(%arg0: i32) -> (i32, i32) {
    %c0_i32 = arith.constant 0 : i32
    %c0_i32_0 = arith.constant 0 : i32
    return %arg0, %c0_i32 : i32, i32
  }
  func.func @transform_3(%arg0: i32) -> (i32, i32) {
    %c0_i32 = arith.constant 0 : i32
    %c0_i32_0 = arith.constant 0 : i32
    return %arg0, %c0_i32 : i32, i32
  }
  func.func @transform_4(%arg0: i32) -> (i32, i32) {
    %c0_i32 = arith.constant 0 : i32
    %c0_i32_0 = arith.constant 0 : i32
    %c0_i32_1 = arith.constant 0 : i32
    return %c0_i32, %c0_i32_0 : i32, i32
  }
  func.func @transform_5(%arg0: i32) -> (i32, i32) {
    %c0_i32 = arith.constant 0 : i32
    %c0_i32_0 = arith.constant 0 : i32
    return %arg0, %c0_i32 : i32, i32
  }
}

</mosaic_0001>

<sc_bundles>
// kernel: kernel.5.cloned.1.call-start
scs
__scs_entry_jumppad:
0x0: {  	(pc) =	sbr.rel $0x88, $3  }
0x1: {  	(tag) =	ssettag $0x0;
	lr =	simm.s32 $0x1  }
0x2: {  	[smem:$0x3F9A] =	sst lr;
	_ =	strace $0xD0000000  }
0x3: {  	_ = 	snop  }
0x4: {  	_ = 	snop  }
0x5: {  	_ = 	snop  }
0x6: {  	_ = 	snop  }
0x7: {  	_ = 	snop  }
__scs_overlays_trampoline_lowered:
0x8: {  	[smem:$0x3FA9] =	sst s0  }
0x9: {  	[smem:$0x3FAA] =	sst s1  }
0xa: {  	[smem:$0x3FAB] =	sst s2  }
0xb: {  	[smem:$0x3FAC] =	sst s3  }
0xc: {  	[smem:$0x3FAD] =	sst s4  }
0xd: {  	[smem:$0x3FAE] =	sst s5  }
0xe: {  	[smem:$0x3FAF] =	sst s6  }
0xf: {  	[smem:$0x3FB0] =	sst s7  }
0x10: {  	[smem:$0x3FB1] =	sst s8  }
0x11: {  	[smem:$0x3FB2] =	sst s9;
	s0 =	simm.s32 @!p0 $0x0  }
0x12: {  	s1 =	sld [smem:$0x3F98];
	s0 =	simm.s32 @p0 $0x1  }
0x13: {  	[smem:$0x3FB3] =	sst s0;
	s0 =	simm.s32 @!p1 $0x0  }
0x14: {  	s2 =	sld [smem:$0x3F97];
	s0 =	simm.s32 @p1 $0x1  }
0x15: {  	[smem:$0x3FB4] =	sst s0;
	s0 =	simm.s32 @!p2 $0x0  }
0x16: {  	s3 =	sld [smem:$0x3FDB];
	s0 =	simm.s32 @p2 $0x1  }
0x17: {  	s4 =	simm.s32 $0x1BF5;
	[smem:$0x3FB6] =	sst s0  }
0x18: {  	s0 =	sld [smem:$0x3F99];
	_ =	swait.ge [sflag:s4], $0x0  }
0x19: {  	s7 =	sld [smem:$0x3F9A]  }
0x1a: {  	s8 =	sadd.s32 $0xFFFFE003, lr  }
0x1b: {  	s9 =	sadd.s32 $0xFFFFFEF7, lr;
	s5 =	simm.s32 $0xFFFFFFFF;
	p2 =	slt.u32 s8, $0xFFFFF086  }
0x1c: {  	p1 =	slt.u32 s9, $0xF7A;
	s5 =	simm.s32 @!p2 $0x0  }
0x1d: {  	s5 =	simm.s32 @p1 $0x1;
	p0 =	seq.s32 s7, s2  }
0x1e: {  	s7 =	smul.u32 @!p0 $0xF7A, s2;
	p2 =	seq.s32 @!p0 s5, $0x0  }
0x1f: {  	s9 =	smul.u32 $0xF7A, s1;
	s8 =	simm.s32 @!p0 $0x1BF5;
	p2 =	por !p2, p0  }
0x20: {  	[sflag:s8] =	ssyncset.s32 @!p0 $0xFFFFF086;
	s6 =	sadd.s32 @!p0 s3, s7;
	s7 =	simm.s32 @!p0 $0x108  }
0x21: {  	s3 =	sadd.s32 s3, s9;
	s6 =	sadd.s32 @!p0 $0x88, s6;
	s7 =	simm.s32 @p2 $0x1082  }
0x22: {  	[simem:s7], [sflag:s8] =	dma.local @!p0 [hbm:s6], $0xF7A  }
0x23: {  	s9 =	sor.u32 $0xD0000000, s2;
	s6 =	simm.s32 $0x108;
	_ =	swait.ge @!p0 [sflag:s8], $0x0  }
0x24: {  	s3 =	sadd.s32 $0x88, s3;
	s6 =	simm.s32 @!p1 $0x1082;
	[sflag:s4] =	ssyncset.s32 $0xFFFFF086  }
0x25: {  	[simem:s6], [sflag:s4] =	dma.local [hbm:s3], $0xF7A  }
0x26: {  	[smem:$0x3F9A] =	sst s1;
	(tag) =	ssettag s2;
	_ =	strace s9  }
0x27: {  	s1 =	sld [smem:$0x3FAA]  }
0x28: {  	s2 =	sld [smem:$0x3FAB]  }
0x29: {  	s4 =	sld [smem:$0x3FAD]  }
0x2a: {  	p0 =	seq.s32 s5, $0x0;
	s5 =	sld [smem:$0x3FAE]  }
0x2b: {  	s6 =	sld [smem:$0x3FAF]  }
0x2c: {  	s7 =	sld [smem:$0x3FB0]  }
0x2d: {  	s3 =	simm.s32 $0x108;
	s8 =	sld [smem:$0x3FB1]  }
0x2e: {  	s3 =	simm.s32 @!p0 $0x1082;
	s9 =	sld [smem:$0x3FB2]  }
0x2f: {  	lr =	sadd.s32 s0, s3;
	s0 =	sld [smem:$0x3FA9]  }
0x30: {  	s3 =	sld [smem:$0x3FAC]  }
0x31: {  	[smem:$0x3FB5] =	sst s10  }
0x32: {  	s10 =	sld [smem:$0x3FB3];
	_ =	sdelay $0x3  }
0x33: {  	p0 =	seq.s32 s10, $0x1;
	s10 =	sld [smem:$0x3FB5];
	_ =	sdelay $0x3  }
0x34: {  	[smem:$0x3FB5] =	sst s10  }
0x35: {  	s10 =	sld [smem:$0x3FB4];
	_ =	sdelay $0x3  }
0x36: {  	p1 =	seq.s32 s10, $0x1;
	s10 =	sld [smem:$0x3FB5];
	_ =	sdelay $0x3  }
0x37: {  	[smem:$0x3FB5] =	sst s10  }
0x38: {  	s10 =	sld [smem:$0x3FB6]  }
0x39: {  	_ = 	snop;
	(pc) =	sbr.ind lr, $3  }
0x3a: {  	_ = 	snop  }
0x3b: {  	_ = 	snop  }
0x3c: {  	p2 =	seq.s32 s10, $0x1;
	s10 =	sld [smem:$0x3FB5]  }
0x3d: {  	_ =	shalt  }
0x3e: {  	_ =	shalt  }
0x3f: {  	_ =	shalt  }
0x40: {  	_ =	shalt  }
0x41: {  	_ =	shalt  }
0x42: {  	_ =	shalt  }
0x43: {  	_ =	shalt  }
0x44: {  	_ =	shalt  }
0x45: {  	_ =	shalt  }
0x46: {  	_ =	shalt  }
0x47: {  	_ =	shalt  }
0x48: {  	_ =	shalt  }
0x49: {  	_ =	shalt  }
0x4a: {  	_ =	shalt  }
0x4b: {  	_ =	shalt  }
0x4c: {  	_ =	shalt  }
0x4d: {  	_ =	shalt  }
0x4e: {  	_ =	shalt  }
0x4f: {  	_ =	shalt  }
0x50: {  	_ =	shalt  }
0x51: {  	_ =	shalt  }
0x52: {  	_ =	shalt  }
0x53: {  	_ =	shalt  }
0x54: {  	_ =	shalt  }
0x55: {  	_ =	shalt  }
0x56: {  	_ =	shalt  }
0x57: {  	_ =	shalt  }
0x58: {  	_ =	shalt  }
0x59: {  	_ =	shalt  }
0x5a: {  	_ =	shalt  }
0x5b: {  	_ =	shalt  }
0x5c: {  	_ =	shalt  }
0x5d: {  	_ =	shalt  }
0x5e: {  	_ =	shalt  }
0x5f: {  	_ =	shalt  }
0x60: {  	_ =	shalt  }
0x61: {  	_ =	shalt  }
0x62: {  	_ =	shalt  }
0x63: {  	_ =	shalt  }
0x64: {  	_ =	shalt  }
0x65: {  	_ =	shalt  }
0x66: {  	_ =	shalt  }
0x67: {  	_ =	shalt  }
0x68: {  	_ =	shalt  }
0x69: {  	_ =	shalt  }
0x6a: {  	_ =	shalt  }
0x6b: {  	_ =	shalt  }
0x6c: {  	_ =	shalt  }
0x6d: {  	_ =	shalt  }
0x6e: {  	_ =	shalt  }
0x6f: {  	_ =	shalt  }
0x70: {  	_ =	shalt  }
0x71: {  	_ =	shalt  }
0x72: {  	_ =	shalt  }
0x73: {  	_ =	shalt  }
0x74: {  	_ =	shalt  }
0x75: {  	_ =	shalt  }
0x76: {  	_ =	shalt  }
0x77: {  	_ =	shalt  }
0x78: {  	_ =	shalt  }
0x79: {  	_ =	shalt  }
0x7a: {  	_ =	shalt  }
0x7b: {  	_ =	shalt  }
0x7c: {  	_ =	shalt  }
0x7d: {  	_ =	shalt  }
0x7e: {  	_ =	shalt  }
0x7f: {  	_ =	shalt  }
0x80: {  	_ =	shalt  }
0x81: {  	_ =	shalt  }
0x82: {  	_ =	shalt  }
0x83: {  	_ =	shalt  }
0x84: {  	_ =	shalt  }
0x85: {  	_ =	shalt  }
0x86: {  	_ =	shalt  }
0x87: {  	_ =	shalt  }
.Lfunc_end0:
.L_simem_size_0:
called_computation_lowered:
.L_overlay_start_0:
0x88: {  	s2 =	sld [smem:$0x3FD9]  }
0x89: {  	s3 =	sld [smem:$0x3FFE];
	_ =	sdelay $0x1  }
0x8a: {  	s1 =	srdreg.scid  }
0x8b: {  	s0 =	sand.u32 $0x1, s1  }
0x8c: {  	s17 =	sshll.u32 s0, $0xA;
	s2 =	sadd.s32 s3, s2  }
0x8d: {  	s2 =	sadd.s32 s2, s17  }
0x8e: {  	[smem:$0x3FC1] =	sst s2  }
0x8f: {  	_ = 	snop  }
0x90: {  	s2 =	sld [smem:$0x3FD0];
	(tm) =	ssettm $0x1  }
0x91: {  	s18 =	sld [smem:$0x3FFB];
	_ =	sdelay $0x3  }
0x92: {  	_ =	strace s18  }
0x93: {  	s3 =	sld [smem:$0x3FFC];
	_ =	sdelay $0x3  }
0x94: {  	_ =	strace s3  }
0x95: {  	s3 =	sld [smem:$0x3FFD];
	_ =	sdelay $0x3  }
0x96: {  	_ =	strace s3  }
0x97: {  	_ =	strace $0x8FFFFFFF  }
0x98: {  	s19 =	sld [smem:$0x3FDB];
	_ =	sdelay $0x1  }
0x99: {  	s4 =	simm.s32 $_scs_section_size  }
0x9a: {  	s5 =	simm.s32 $_size__tile_overlayer_lowered;
	s6 =	simm.s32 $_tile_overlayer_lowered  }
0x9b: {  	s22 =	simm.s32 $0x1BFF;
	s21 =	sshll.u32 s6, $0x1;
	s3 =	sadd.s32 s4, s19  }
0x9c: {  	s7 =	simm.s32 $0x0;
	s20 =	sshll.u32 s5, $0x1;
	s5 =	sadd.s32 s21, s3  }
0x9d: {  	[timem:s7], [sflag:s22] =	dma.local [hbm:s5], s20  }
0x9e: {  	_ =	swait.ge [sflag:s22], s20  }
0x9f: {  	s4 =	ssub.s32 $0x0, s20;
	[sflag:s22] =	ssyncset.done $0x0  }
0xa0: {  	[sflag:s22] =	ssyncadd.s32 s4;
	_ =	sdelay $0x1  }
0xa1: {  	s23 =	simm.s32 $0x1B8B  }
0xa2: {  	_ =	swait.ge [sflag:s23], $0x1  }
0xa3: {  	[sflag:s23] =	ssyncset.done $0x0  }
0xa4: {  	s25 =	simm.s32 $0x1B8E;
	s24 =	sld [smem:$0x3FFE];
	[sflag:s23] =	ssyncadd.s32 $0xFFFFFFFF  }
0xa5: {  	s26 =	simm.s32 $execute0_lowered;
	[smem:$0x3FD2] =	sst s25  }
0xa6: {  	s5 =	sshll.u32 s26, $0x1;
	_ =	strace $0x80000046;
	[dreg:$0x1] =	wrdreg $0xFFFFFFFF  }
0xa7: {  	s28 =	simm.s32 $_size_execute0_lowered;
	s3 =	sadd.s32 s3, s5;
	[dreg:$0x0] =	wrdreg $0x0  }
0xa8: {  	s5 =	sshll.u32 s28, $0x1;
	[dreg:$0x2] =	wrdreg s3  }
0xa9: {  	[dreg:$0x3] =	wrdreg s5  }
0xaa: {  	[dreg:$0x4] =	wrdreg $0xC0  }
0xab: {  	_ =	task [dreg:s7], $0x5FFFF  }
0xac: {  	[dreg:$0x1] =	wrdreg $0xFFFFFFFF  }
0xad: {  	[dreg:$0x0] =	wrdreg $0x60  }
0xae: {  	[dreg:$0x2] =	wrdreg s24  }
0xaf: {  	[dreg:$0x3] =	wrdreg s2  }
0xb0: {  	[dreg:$0x4] =	wrdreg $0x9  }
0xb1: {  	_ =	task.clear_ibuf [dreg:s7], $0x5FFFF;
	_ =	strace $0x90000046  }
0xb2: {  	s29 =	simm.s32 $0x9;
	_ =	strace $0x80000048  }
0xb3: {  	_ =	swait.ge [sflag:s29], $0x1  }
0xb4: {  	[sflag:s29] =	ssyncadd.s32 $0xFFFFFFFF  }
0xb5: {  	_ =	strace $0x90000048  }
0xb6: {  	_ =	sfence  }
0xb7: {  	s30 =	sld [smem:$0x0];
	_ =	sdelay $0x2  }
0xb8: {  	s31 =	sshll.u32 s1, $0xD;
	s1 =	sshrl.u32 s1, $0x2  }
0xb9: {  	s3 =	sand.u32 $0x4000, s31;
	s1 =	sadd.s32 s1, s30  }
0xba: {  	s0 =	sor.u32 s3, s0;
	s1 =	sshll.u32 s1, $0x11  }
0xbb: {  	s0 =	sor.u32 s1, s0  }
0xbc: {  	s0 =	sadd.s32 $0x8F2B, s0  }
0xbd: {  	[sflag:s0] =	ssyncadd.remote.s32 $0x1  }
0xbe: {  	_ =	sfence.sel $0xFFFF  }
0xbf: {  	[dreg:$0x0] =	wrdreg $0xFFFFFFFF;
	(pc) =	sbr.abs _section_cstart, $3  }
0xc0: {  	[dreg:$0x1] =	wrdreg $0xFFFFFFFF  }
0xc1: {  	_ =	task.clear_ibuf [dreg:s7], $0x2FFFF;
	_ =	strace $0x9FFFFFFF  }
0xc2: {  	(tm) =	ssettm $0x7FFFFFFF  }
0xc3: {  	_ =	shalt  }
tec
execute0_lowered:
.L_overlay_start_1:
0x0: {  	(tag) =	ssettag $0x1  }
0x1: {  	s5 =	rddreg [dreg:$0x0]  }
0x2: {  	s2 =	rddreg [dreg:$0x1]  }
0x3: {  	s0 =	rddreg [dreg:$0x2];
	s3 =	simm.s32 $0x0;
	s4 =	srdreg.scid  }
0x4: {  	s1 =	stileid.u32;
	[smem:$0x7FF] =	sst s3;
	s6 =	sand.u32 $0x1, s4  }
0x5: {  	s28 =	sshll.u32 s1, $0x1;
	s4 =	sadd.s32 $0x1200, s5;
	s9 =	sadd.s32 $0x2200, s5  }
0x6: {  	_ =	strace $0x80000047;
	s7 =	sor.u32 s6, s28;
	s6 =	ssub.s32 $0x2, s6  }
0x7: {  	s8 =	sshll.u32 s7, $0x10;
	s29 =	sshrl.u32 s6, $0x1;
	s30 =	sshll.u32 s7, $0xD  }
0x8: {  	s10 =	sor.u32 $0x200000, s8;
	s11 =	ssub.s32 s6, s29;
	s5 =	sadd.s32 s9, s30  }
0x9: {  	v0 =	vmov s8;
	s8 =	simm.s32 $0x1;
	s31 =	sshrl.u32 s10, $0x3;
	s7 =	smax.u32 s11, $0x1  }
0xa: {  	v2 =	vimm.f32 $1.000000000e+00;
	v1 =	vmov s10;
	s10 =	simm.s32 $0x0;
	s6 =	sadd.s32 s9, s31;
	s9 =	simm.s32 $0x8000  }
.LBB2_1:
0xb: {  	[tilespmem:s3], [sflag:$0x1] =	stream.linear.gather [hbm4b:s4+s3], $0x8000, $0x38;
	[tilespmem:$0x18000] =	vst v63  }
0xc: {  	_ =	swait.ge [sflag:s8], $0x8000  }
0xd: {  	[sflag:s8] =	ssyncset.done $0x0  }
0xe: {  	[sflag:s8] =	ssyncadd.s32 $0xFFFF8000  }
0xf: {  	[tilespmem:s9], [sflag:$0x1] =	stream.linear.gather [hbm4b:s2+s3], $0x10000, $0x38;
	[tilespmem:$0x18000] =	vst v63  }
0x10: {  	_ =	swait.ge [sflag:s8], $0x10000  }
0x11: {  	[sflag:s8] =	ssyncset.done $0x0  }
0x12: {  	s11 =	simm.s32 $0x40;
	[sflag:s8] =	ssyncadd.s32 $0xFFFF0000  }
0x13: {  	v3 =	vld [tilespmem:s11+$0x30]  }
0x14: {  	v4 =	vld [tilespmem:s11+$0xFFFFFFD0]  }
0x15: {  	v5 =	vld [tilespmem:s11+$0xFFFFFFE0]  }
0x16: {  	v6 =	vld [tilespmem:s11+$0xFFFFFFF0]  }
0x17: {  	v7 =	vld [tilespmem:s11+$0x0]  }
0x18: {  	v8 =	vld [tilespmem:s11+$0x10]  }
0x19: {  	v12 =	vld [tilespmem:s11+$0xFFFFFFC0];
	_ =	sdelay $0x1  }
0x1a: {  	v9 =	vshll.u32 v3, $0xB  }
0x1b: {  	v10 =	vshll.u32 v4, $0xB;
	v3 =	vshrl.u32 v3, $0x10;
	v13 =	vshll.u32 v5, $0xB  }
0x1c: {  	v14 =	vshll.u32 v6, $0xB;
	v15 =	vshll.u32 v7, $0xB;
	v16 =	vshll.u32 v8, $0xB  }
0x1d: {  	v21 =	vshrl.u32 v12, $0x10;
	v22 =	vshrl.u32 v4, $0x10;
	v24 =	vshrl.u32 v5, $0x10  }
0x1e: {  	v25 =	vshrl.u32 v6, $0x10;
	v4 =	vshrl.u32 v7, $0x10;
	v5 =	vshrl.u32 v8, $0x10  }
0x1f: {  	v11 =	vld [tilespmem:s11+$0x20];
	v9 =	vand.u32 $0x7FFF800, v9;
	v10 =	vand.u32 $0x7FFF800, v10;
	v13 =	vand.u32 $0x7FFF800, v13  }
0x20: {  	v16 =	vand.u32 $0x7FFF800, v16;
	v23 =	vand.u32 $0x7F, v22;
	v9 =	vor.u32 v3, v9  }
0x21: {  	v3 =	vand.u32 $0x7F, v3;
	v7 =	vor.u32 v22, v10;
	v9 =	vsub.s32 v9, v0  }
0x22: {  	v8 =	vor.u32 v24, v13;
	vm0 =	vlt.u32 v9, $0x10000;
	v9 =	vand.u32 $0xFFFFFF80, v9  }
0x23: {  	v13 =	vor.u32 v5, v16;
	v22 =	vand.u32 $0x7F, v24;
	v20 =	vor.u32 v3, v9  }
0x24: {  	v9 =	vand.u32 $0x7FFF800, v14;
	v14 =	vand.u32 $0x7FFF800, v15;
	v3 =	vshll.u32 v11, $0xB  }
0x25: {  	v15 =	vshll.u32 v12, $0xB;
	v12 =	vsub.s32 v7, v0;
	v7 =	vsub.s32 v13, v0  }
0x26: {  	v17 =	vand.u32 $0x7FFF800, v3;
	v3 =	vand.u32 $0x7FFF800, v15;
	v9 =	vor.u32 v25, v9  }
0x27: {  	v10 =	vor.u32 v4, v14;
	v6 =	vor.u32 v21, v3;
	v3 =	vshrl.u32 v11, $0x10  }
0x28: {  	v11 =	vsub.s32 v8, v0;
	v9 =	vsub.s32 v9, v0;
	v8 =	vsub.s32 v10, v0  }
0x29: {  	v21 =	vand.u32 $0x7F, v21;
	v14 =	vor.u32 v3, v17;
	v15 =	vsub.s32 v6, v0  }
0x2a: {  	v17 =	vand.u32 $0xFFFFFF80, v12;
	v18 =	vand.u32 $0xFFFFFF80, v11;
	v16 =	vand.u32 $0xFFFFFF80, v9  }
0x2b: {  	v13 =	vand.u32 $0xFFFFFF80, v8;
	v19 =	vand.u32 $0xFFFFFF80, v15;
	v6 =	vsub.s32 v14, v0  }
0x2c: {  	s12 =	simm.s32 $0xC0;
	s11 =	simm.s32 $0x0;
	v14 =	vand.u32 $0xFFFFFF80, v7;
	v10 =	vand.u32 $0xFFFFFF80, v6;
	[tilespmem:v20+s9+$0x0] =	vst.idx.msk vm0, v2;
	v20 =	vand.u32 $0x7F, v25  }
.LBB2_2:
0x2d: {  	v24 =	vld [tilespmem:s12+$0x30];
	s11 =	sadd.s32 $0x8, s11;
	v4 =	vand.u32 $0x7F, v4;
	v5 =	vand.u32 $0x7F, v5;
	v3 =	vand.u32 $0x7F, v3  }
0x2e: {  	vm6 =	vlt.u32 v15, $0x10000;
	v15 =	vor.u32 v21, v19;
	vm5 =	vlt.u32 v12, $0x10000;
	v25 =	vld [tilespmem:s12+$0xFFFFFFD0];
	p0 =	slt.u32 s11, $0x7F8  }
0x2f: {  	v17 =	vor.u32 v23, v17;
	vm4 =	vlt.u32 v11, $0x10000;
	v11 =	vor.u32 v22, v18;
	v12 =	vld [tilespmem:s12+$0xFFFFFFE0]  }
0x30: {  	vm3 =	vlt.u32 v9, $0x10000;
	v9 =	vor.u32 v20, v16;
	vm2 =	vlt.u32 v8, $0x10000;
	v18 =	vld [tilespmem:s12+$0xFFFFFFF0]  }
0x31: {  	vm0 =	vlt.u32 v7, $0x10000;
	v4 =	vor.u32 v4, v13;
	v5 =	vor.u32 v5, v14;
	v8 =	vld [tilespmem:s12+$0x0]  }
0x32: {  	vm1 =	vlt.u32 v6, $0x10000;
	v3 =	vor.u32 v3, v10;
	v7 =	vld [tilespmem:s12+$0x10];
	v13 =	vshll.u32 v24, $0xB  }
0x33: {  	v14 =	vshrl.u32 v24, $0x10;
	v6 =	vshll.u32 v25, $0xB;
	v10 =	vld [tilespmem:s12+$0x20];
	v13 =	vand.u32 $0x7FFF800, v13  }
0x34: {  	v16 =	vld [tilespmem:s12+$0xFFFFFFC0];
	v6 =	vand.u32 $0x7FFF800, v6;
	v19 =	vshll.u32 v12, $0xB;
	v13 =	vor.u32 v14, v13;
	[tilespmem:v15+s9+$0x0] =	vst.idx.msk vm6, v2  }
0x35: {  	v15 =	vand.u32 $0x7FFF800, v19;
	v19 =	vshll.u32 v18, $0xB;
	v13 =	vsub.s32 v13, v0;
	[tilespmem:v17+s9+$0x0] =	vst.idx.msk vm5, v2  }
0x36: {  	v14 =	vand.u32 $0x7F, v14;
	vm5 =	vlt.u32 v13, $0x10000;
	v13 =	vand.u32 $0xFFFFFF80, v13;
	[tilespmem:v11+s9+$0x0] =	vst.idx.msk vm4, v2  }
0x37: {  	v11 =	vshll.u32 v8, $0xB;
	v17 =	vshll.u32 v7, $0xB;
	v13 =	vor.u32 v14, v13;
	[tilespmem:v9+s9+$0x0] =	vst.idx.msk vm3, v2  }
0x38: {  	v9 =	vand.u32 $0x7FFF800, v19;
	v11 =	vand.u32 $0x7FFF800, v11;
	v14 =	vshll.u32 v10, $0xB;
	[tilespmem:v4+s9+$0x0] =	vst.idx.msk vm2, v2  }
0x39: {  	v17 =	vand.u32 $0x7FFF800, v17;
	v4 =	vshll.u32 v16, $0xB;
	v14 =	vand.u32 $0x7FFF800, v14;
	[tilespmem:v5+s9+$0x0] =	vst.idx.msk vm0, v2  }
0x3a: {  	v22 =	vshrl.u32 v25, $0x10;
	v20 =	vshrl.u32 v16, $0x10;
	v5 =	vand.u32 $0x7FFF800, v4;
	[tilespmem:v3+s9+$0x0] =	vst.idx.msk vm1, v2  }
0x3b: {  	v24 =	vshrl.u32 v12, $0x10;
	v25 =	vshrl.u32 v18, $0x10;
	v4 =	vshrl.u32 v8, $0x10  }
0x3c: {  	v3 =	vshrl.u32 v10, $0x10;
	v8 =	vor.u32 v20, v5;
	v5 =	vshrl.u32 v7, $0x10;
	[tilespmem:v13+s9+$0x0] =	vst.idx.msk vm5, v2  }
0x3d: {  	v6 =	vor.u32 v22, v6;
	v9 =	vor.u32 v25, v9;
	v7 =	vor.u32 v24, v15  }
0x3e: {  	v10 =	vor.u32 v4, v11;
	v14 =	vor.u32 v3, v14;
	v13 =	vor.u32 v5, v17  }
0x3f: {  	v12 =	vsub.s32 v6, v0;
	v15 =	vsub.s32 v8, v0;
	v11 =	vsub.s32 v7, v0  }
.Ltmp0:
0x40: {  	v9 =	vsub.s32 v9, v0;
	v8 =	vsub.s32 v10, v0;
	v7 =	vsub.s32 v13, v0;
	(pc) =	sbr.rel @p0 .LBB2_2-.Ltmp0, $4  }
0x41: {  	v17 =	vand.u32 $0xFFFFFF80, v12;
	v6 =	vsub.s32 v14, v0;
	v19 =	vand.u32 $0xFFFFFF80, v15  }
0x42: {  	v16 =	vand.u32 $0xFFFFFF80, v9;
	v18 =	vand.u32 $0xFFFFFF80, v11;
	v13 =	vand.u32 $0xFFFFFF80, v8  }
0x43: {  	v21 =	vand.u32 $0x7F, v20;
	v10 =	vand.u32 $0xFFFFFF80, v6;
	v14 =	vand.u32 $0xFFFFFF80, v7  }
0x44: {  	v23 =	vand.u32 $0x7F, v22;
	s12 =	sadd.s32 $0x80, s12;
	v22 =	vand.u32 $0x7F, v24;
	v20 =	vand.u32 $0x7F, v25  }
0x45: {  	vm0 =	vlt.u32 v15, $0x10000  }
0x46: {  	v15 =	vor.u32 v21, v19;
	vm1 =	vlt.u32 v12, $0x10000  }
0x47: {  	v12 =	vor.u32 v23, v17;
	vm2 =	vlt.u32 v11, $0x10000  }
0x48: {  	v11 =	vor.u32 v22, v18;
	vm3 =	vlt.u32 v9, $0x10000  }
0x49: {  	v4 =	vand.u32 $0x7F, v4;
	v9 =	vor.u32 v20, v16;
	vm4 =	vlt.u32 v8, $0x10000  }
0x4a: {  	v5 =	vand.u32 $0x7F, v5;
	vm5 =	vlt.u32 v7, $0x10000;
	v4 =	vor.u32 v4, v13  }
0x4b: {  	v3 =	vand.u32 $0x7F, v3;
	vm6 =	vlt.u32 v6, $0x10000;
	v5 =	vor.u32 v5, v14;
	[tilespmem:v15+s9+$0x0] =	vst.idx.msk vm0, v2  }
0x4c: {  	v3 =	vor.u32 v3, v10;
	[tilespmem:v12+s9+$0x0] =	vst.idx.msk vm1, v2  }
0x4d: {  	[tilespmem:v11+s9+$0x0] =	vst.idx.msk vm2, v2  }
0x4e: {  	[tilespmem:v9+s9+$0x0] =	vst.idx.msk vm3, v2  }
0x4f: {  	[tilespmem:v4+s9+$0x0] =	vst.idx.msk vm4, v2  }
0x50: {  	[tilespmem:v5+s9+$0x0] =	vst.idx.msk vm5, v2  }
0x51: {  	[tilespmem:v3+s9+$0x0] =	vst.idx.msk vm6, v2  }
0x52: {  	[hbm4b:s5+s3] =	stream.linear.scatter [tilespmem:s9], [sflag:$0x1], $0x10000, $0x38;
	[tilespmem:$0x18000] =	vst v63  }
0x53: {  	_ =	swait.ge [sflag:s8], $0x10000  }
0x54: {  	[sflag:s8] =	ssyncset.done $0x0  }
0x55: {  	[sflag:s8] =	ssyncadd.s32 $0xFFFF0000  }
0x56: {  	[tilespmem:s9], [sflag:$0x1] =	stream.linear.gather [hbm4b:s2+s3], $0x10000, $0x38;
	[tilespmem:$0x18000] =	vst v63  }
0x57: {  	_ =	swait.ge [sflag:s8], $0x10000  }
0x58: {  	[sflag:s8] =	ssyncset.done $0x0  }
0x59: {  	s11 =	simm.s32 $0x40;
	[sflag:s8] =	ssyncadd.s32 $0xFFFF0000  }
0x5a: {  	v3 =	vld [tilespmem:s11+$0x30]  }
0x5b: {  	v4 =	vld [tilespmem:s11+$0xFFFFFFD0]  }
0x5c: {  	v5 =	vld [tilespmem:s11+$0xFFFFFFE0]  }
0x5d: {  	v6 =	vld [tilespmem:s11+$0xFFFFFFF0]  }
0x5e: {  	v7 =	vld [tilespmem:s11+$0x0]  }
0x5f: {  	v8 =	vld [tilespmem:s11+$0x10]  }
0x60: {  	v12 =	vld [tilespmem:s11+$0xFFFFFFC0];
	_ =	sdelay $0x1  }
0x61: {  	v9 =	vshll.u32 v3, $0xB  }
0x62: {  	v10 =	vshll.u32 v4, $0xB;
	v3 =	vshrl.u32 v3, $0x10;
	v13 =	vshll.u32 v5, $0xB  }
0x63: {  	v14 =	vshll.u32 v6, $0xB;
	v15 =	vshll.u32 v7, $0xB;
	v16 =	vshll.u32 v8, $0xB  }
0x64: {  	v21 =	vshrl.u32 v12, $0x10;
	v22 =	vshrl.u32 v4, $0x10;
	v24 =	vshrl.u32 v5, $0x10  }
0x65: {  	v25 =	vshrl.u32 v6, $0x10;
	v4 =	vshrl.u32 v7, $0x10;
	v5 =	vshrl.u32 v8, $0x10  }
0x66: {  	v11 =	vld [tilespmem:s11+$0x20];
	v9 =	vand.u32 $0x7FFF800, v9;
	v10 =	vand.u32 $0x7FFF800, v10;
	v13 =	vand.u32 $0x7FFF800, v13  }
0x67: {  	v16 =	vand.u32 $0x7FFF800, v16;
	v23 =	vand.u32 $0x7F, v22;
	v9 =	vor.u32 v3, v9  }
0x68: {  	v3 =	vand.u32 $0x7F, v3;
	v7 =	vor.u32 v22, v10;
	v9 =	vsub.s32 v9, v1  }
0x69: {  	v8 =	vor.u32 v24, v13;
	vm15 =	vlt.u32 v9, $0x10000;
	v9 =	vand.u32 $0xFFFFFF80, v9  }
0x6a: {  	v13 =	vor.u32 v5, v16;
	v22 =	vand.u32 $0x7F, v24;
	v20 =	vor.u32 v3, v9  }
0x6b: {  	v9 =	vand.u32 $0x7FFF800, v14;
	v14 =	vand.u32 $0x7FFF800, v15;
	v3 =	vshll.u32 v11, $0xB  }
0x6c: {  	v15 =	vshll.u32 v12, $0xB;
	v12 =	vsub.s32 v7, v1;
	v7 =	vsub.s32 v13, v1  }
0x6d: {  	v17 =	vand.u32 $0x7FFF800, v3;
	v3 =	vand.u32 $0x7FFF800, v15;
	v9 =	vor.u32 v25, v9  }
0x6e: {  	v10 =	vor.u32 v4, v14;
	v6 =	vor.u32 v21, v3;
	v3 =	vshrl.u32 v11, $0x10  }
0x6f: {  	v11 =	vsub.s32 v8, v1;
	v9 =	vsub.s32 v9, v1;
	v8 =	vsub.s32 v10, v1  }
0x70: {  	v21 =	vand.u32 $0x7F, v21;
	v14 =	vor.u32 v3, v17;
	v15 =	vsub.s32 v6, v1  }
0x71: {  	v17 =	vand.u32 $0xFFFFFF80, v12;
	v18 =	vand.u32 $0xFFFFFF80, v11;
	v16 =	vand.u32 $0xFFFFFF80, v9  }
0x72: {  	v13 =	vand.u32 $0xFFFFFF80, v8;
	v19 =	vand.u32 $0xFFFFFF80, v15;
	v6 =	vsub.s32 v14, v1  }
0x73: {  	s12 =	simm.s32 $0xC0;
	s11 =	simm.s32 $0x0;
	v14 =	vand.u32 $0xFFFFFF80, v7;
	v10 =	vand.u32 $0xFFFFFF80, v6;
	[tilespmem:v20+s9+$0x0] =	vst.idx.msk vm15, v2;
	v20 =	vand.u32 $0x7F, v25  }
.LBB2_4:
0x74: {  	v24 =	vld [tilespmem:s12+$0x30];
	s11 =	sadd.s32 $0x8, s11;
	v4 =	vand.u32 $0x7F, v4;
	v5 =	vand.u32 $0x7F, v5;
	v3 =	vand.u32 $0x7F, v3  }
0x75: {  	vm6 =	vlt.u32 v15, $0x10000;
	v15 =	vor.u32 v21, v19;
	vm5 =	vlt.u32 v12, $0x10000;
	v25 =	vld [tilespmem:s12+$0xFFFFFFD0];
	p0 =	slt.u32 s11, $0x7F8  }
0x76: {  	v17 =	vor.u32 v23, v17;
	vm4 =	vlt.u32 v11, $0x10000;
	v11 =	vor.u32 v22, v18;
	v12 =	vld [tilespmem:s12+$0xFFFFFFE0]  }
0x77: {  	vm3 =	vlt.u32 v9, $0x10000;
	v9 =	vor.u32 v20, v16;
	vm2 =	vlt.u32 v8, $0x10000;
	v18 =	vld [tilespmem:s12+$0xFFFFFFF0]  }
0x78: {  	vm0 =	vlt.u32 v7, $0x10000;
	v4 =	vor.u32 v4, v13;
	v5 =	vor.u32 v5, v14;
	v8 =	vld [tilespmem:s12+$0x0]  }
0x79: {  	vm1 =	vlt.u32 v6, $0x10000;
	v3 =	vor.u32 v3, v10;
	v7 =	vld [tilespmem:s12+$0x10];
	v13 =	vshll.u32 v24, $0xB  }
0x7a: {  	v14 =	vshrl.u32 v24, $0x10;
	v6 =	vshll.u32 v25, $0xB;
	v10 =	vld [tilespmem:s12+$0x20];
	v13 =	vand.u32 $0x7FFF800, v13  }
0x7b: {  	v16 =	vld [tilespmem:s12+$0xFFFFFFC0];
	v6 =	vand.u32 $0x7FFF800, v6;
	v19 =	vshll.u32 v12, $0xB;
	v13 =	vor.u32 v14, v13;
	[tilespmem:v15+s9+$0x0] =	vst.idx.msk vm6, v2  }
0x7c: {  	v15 =	vand.u32 $0x7FFF800, v19;
	v19 =	vshll.u32 v18, $0xB;
	v13 =	vsub.s32 v13, v1;
	[tilespmem:v17+s9+$0x0] =	vst.idx.msk vm5, v2  }
0x7d: {  	v14 =	vand.u32 $0x7F, v14;
	vm5 =	vlt.u32 v13, $0x10000;
	v13 =	vand.u32 $0xFFFFFF80, v13;
	[tilespmem:v11+s9+$0x0] =	vst.idx.msk vm4, v2  }
0x7e: {  	v11 =	vshll.u32 v8, $0xB;
	v17 =	vshll.u32 v7, $0xB;
	v13 =	vor.u32 v14, v13;
	[tilespmem:v9+s9+$0x0] =	vst.idx.msk vm3, v2  }
0x7f: {  	v9 =	vand.u32 $0x7FFF800, v19;
	v11 =	vand.u32 $0x7FFF800, v11;
	v14 =	vshll.u32 v10, $0xB;
	[tilespmem:v4+s9+$0x0] =	vst.idx.msk vm2, v2  }
0x80: {  	v17 =	vand.u32 $0x7FFF800, v17;
	v4 =	vshll.u32 v16, $0xB;
	v14 =	vand.u32 $0x7FFF800, v14;
	[tilespmem:v5+s9+$0x0] =	vst.idx.msk vm0, v2  }
0x81: {  	v22 =	vshrl.u32 v25, $0x10;
	v20 =	vshrl.u32 v16, $0x10;
	v5 =	vand.u32 $0x7FFF800, v4;
	[tilespmem:v3+s9+$0x0] =	vst.idx.msk vm1, v2  }
0x82: {  	v24 =	vshrl.u32 v12, $0x10;
	v25 =	vshrl.u32 v18, $0x10;
	v4 =	vshrl.u32 v8, $0x10  }
0x83: {  	v3 =	vshrl.u32 v10, $0x10;
	v8 =	vor.u32 v20, v5;
	v5 =	vshrl.u32 v7, $0x10;
	[tilespmem:v13+s9+$0x0] =	vst.idx.msk vm5, v2  }
0x84: {  	v6 =	vor.u32 v22, v6;
	v9 =	vor.u32 v25, v9;
	v7 =	vor.u32 v24, v15  }
0x85: {  	v10 =	vor.u32 v4, v11;
	v14 =	vor.u32 v3, v14;
	v13 =	vor.u32 v5, v17  }
0x86: {  	v12 =	vsub.s32 v6, v1;
	v15 =	vsub.s32 v8, v1;
	v11 =	vsub.s32 v7, v1  }
.Ltmp1:
0x87: {  	v9 =	vsub.s32 v9, v1;
	v8 =	vsub.s32 v10, v1;
	v7 =	vsub.s32 v13, v1;
	(pc) =	sbr.rel @p0 .LBB2_4-.Ltmp1, $4  }
0x88: {  	v17 =	vand.u32 $0xFFFFFF80, v12;
	v6 =	vsub.s32 v14, v1;
	v19 =	vand.u32 $0xFFFFFF80, v15  }
0x89: {  	v16 =	vand.u32 $0xFFFFFF80, v9;
	v18 =	vand.u32 $0xFFFFFF80, v11;
	v13 =	vand.u32 $0xFFFFFF80, v8  }
0x8a: {  	v21 =	vand.u32 $0x7F, v20;
	v10 =	vand.u32 $0xFFFFFF80, v6;
	v14 =	vand.u32 $0xFFFFFF80, v7  }
0x8b: {  	v23 =	vand.u32 $0x7F, v22;
	s12 =	sadd.s32 $0x80, s12;
	v22 =	vand.u32 $0x7F, v24;
	v20 =	vand.u32 $0x7F, v25  }
0x8c: {  	vm0 =	vlt.u32 v15, $0x10000  }
0x8d: {  	v60 =	vor.u32 v21, v19;
	vm1 =	vlt.u32 v12, $0x10000  }
0x8e: {  	v61 =	vor.u32 v23, v17;
	vm2 =	vlt.u32 v11, $0x10000  }
0x8f: {  	v62 =	vor.u32 v22, v18;
	vm3 =	vlt.u32 v9, $0x10000  }
0x90: {  	v4 =	vand.u32 $0x7F, v4;
	v63 =	vor.u32 v20, v16;
	vm4 =	vlt.u32 v8, $0x10000  }
0x91: {  	v5 =	vand.u32 $0x7F, v5;
	vm5 =	vlt.u32 v7, $0x10000;
	v4 =	vor.u32 v4, v13  }
0x92: {  	v3 =	vand.u32 $0x7F, v3;
	vm6 =	vlt.u32 v6, $0x10000;
	v5 =	vor.u32 v5, v14;
	[tilespmem:v60+s9+$0x0] =	vst.idx.msk vm0, v2  }
0x93: {  	v3 =	vor.u32 v3, v10;
	[tilespmem:v61+s9+$0x0] =	vst.idx.msk vm1, v2  }
0x94: {  	[tilespmem:v62+s9+$0x0] =	vst.idx.msk vm2, v2  }
0x95: {  	[tilespmem:v63+s9+$0x0] =	vst.idx.msk vm3, v2  }
0x96: {  	s10 =	sadd.s32 $0x1, s10;
	[tilespmem:v4+s9+$0x0] =	vst.idx.msk vm4, v2  }
0x97: {  	p0 =	sne.s32 s10, s7;
	[tilespmem:v5+s9+$0x0] =	vst.idx.msk vm5, v2  }
.Ltmp2:
0x98: {  	[tilespmem:v3+s9+$0x0] =	vst.idx.msk vm6, v2;
	(pc) =	sbr.rel @p0 .LBB2_1-.Ltmp2, $4  }
0x99: {  	[hbm4b:s6+s3] =	stream.linear.scatter [tilespmem:s9], [sflag:$0x1], $0x10000, $0x38;
	[tilespmem:$0x18000] =	vst v63  }
0x9a: {  	_ =	swait.ge [sflag:s8], $0x10000  }
0x9b: {  	[sflag:s8] =	ssyncset.done $0x0  }
0x9c: {  	[sflag:s8] =	ssyncadd.s32 $0xFFFF0000  }
0x9d: {  	_ =	sfence.sel $0x180000  }
0x9e: {  	[bflag:$0x0] =	sbarrier.arrive $0xFFFF  }
0x9f: {  	p0 =	sne.s32 s1, $0x0;
	_ =	strace $0x90000047  }
0xa0: {  	s0 =	sadd.s32 @!p0 $0x100000, s0;
	[bflag:$0x2] =	sbarrier.arrive $0xFFFF  }
0xa1: {  	[sflag:s0] =	ssyncadd.tile.s32 @!p0 $0x1;
	_ =	shalt  }
.Lfunc_end2:
_tile_overlayer_lowered:
.L_overlay_start_2:
0xa2: {  	(tag) =	ssettag $0x2  }
0xa3: {  	s0 =	rddreg [dreg:$0x0];
	s2 =	stileid.u32  }
0xa4: {  	s1 =	rddreg [dreg:$0x1];
	p0 =	sne.s32 s2, $0x0  }
0xa5: {  	s3 =	rddreg [dreg:$0x2];
	[bflag:$0x3] =	sbarrier.arrive $0xFFFF;
	s2 =	simm.s32 @!p0 $0x1C01  }
0xa6: {  	[timem:s3], [sflag:s2] =	dma.local @!p0 [hbm:s0], s1  }
0xa7: {  	s0 =	simm.s32 @!p0 $0x1  }
0xa8: {  	_ =	swait.ge @!p0 [sflag:s0], s1  }
0xa9: {  	s1 =	ssub.s32 @!p0 $0x0, s1;
	[sflag:s0] =	ssyncset.done @!p0 $0x0  }
0xaa: {  	[sflag:s0] =	ssyncadd.s32 @!p0 s1  }
0xab: {  	[bflag:$0x3] =	sbarrier.arrive $0xFFFF  }
0xac: {  	_ =	shalt  }

</sc_bundles>
